<compile_context>
chip_gen: v7x
topology: tpu7x:2x2x1
jax: 0.10.2.dev20260603
libtpu: 0.0.44.dev20260713+nightly
codegen_flags: <defaults>
</compile_context>

<pallas_src>
import functools

import jax
import jax.numpy as jnp
from jax import lax
from jax.experimental import pallas as pl
from jax.experimental.pallas import tpu as pltpu
from jax.experimental.pallas import tpu_sc as plsc

_NC = 2
_NS = 16
_NW = _NC * _NS
_CHUNK = 128


def _merge_body(scale, main_ref, a_ref, bt_ref, out_ref):
    out_ref[...] = main_ref[...] + scale * jnp.dot(
        a_ref[...], bt_ref[...], preferred_element_type=jnp.float32
    )


def _merged_table(main_weight, lora_a, lora_bt, scale):
    v, d = main_weight.shape
    r = lora_a.shape[1]
    block = 5000
    grid = v // block
    return pl.pallas_call(
        functools.partial(_merge_body, scale),
        grid=(grid,),
        in_specs=[
            pl.BlockSpec((block, d), lambda i: (i, 0)),
            pl.BlockSpec((block, r), lambda i: (i, 0)),
            pl.BlockSpec((r, d), lambda i: (0, 0)),
        ],
        out_specs=pl.BlockSpec((block, d), lambda i: (i, 0)),
        out_shape=jax.ShapeDtypeStruct((v, d), jnp.float32),
    )(main_weight, lora_a, lora_bt)


_NBUF = 5


def _make_gather(nchunk, d):
    n_per_w = nchunk * _CHUNK
    assert nchunk % _NBUF == 0
    ngroups = nchunk // _NBUF
    mesh = plsc.VectorSubcoreMesh(
        core_axis_name="c", subcore_axis_name="s", num_cores=_NC, num_subcores=_NS
    )

    @functools.partial(
        pl.kernel,
        out_type=jax.ShapeDtypeStruct((_NW * n_per_w, d), jnp.float32),
        mesh=mesh,
        scratch_types=[
            pltpu.VMEM((n_per_w,), jnp.int32),
            pltpu.VMEM((_NBUF, _CHUNK, d), jnp.float32),
            [pltpu.SemaphoreType.DMA] * _NBUF,
            [pltpu.SemaphoreType.DMA] * _NBUF,
        ],
    )
    def gather(table_hbm, idx_hbm, out_hbm, idx_v, rows_v, gsem, dsem):
        wid = lax.axis_index("s") * _NC + lax.axis_index("c")
        base = wid * n_per_w
        pltpu.sync_copy(idx_hbm.at[wid], idx_v)

        def fire(j, slot):
            pltpu.async_copy(
                table_hbm.at[idx_v.at[pl.ds(j * _CHUNK, _CHUNK)]],
                rows_v.at[slot],
                gsem[slot],
            )

        def gwait(slot):
            pltpu.make_async_copy(
                table_hbm.at[idx_v.at[pl.ds(0, _CHUNK)]], rows_v.at[slot], gsem[slot]
            ).wait()

        def drain(j, slot):
            pltpu.async_copy(
                rows_v.at[slot], out_hbm.at[pl.ds(base + j * _CHUNK, _CHUNK)], dsem[slot]
            )

        def dwait(slot):
            pltpu.make_async_copy(
                rows_v.at[slot], out_hbm.at[pl.ds(base, _CHUNK)], dsem[slot]
            ).wait()

        for k in range(_NBUF - 1):
            fire(k, k)

        def group(g, carry):
            j0 = g * _NBUF
            for k in range(_NBUF):
                s = k
                s3 = (k + _NBUF - 1) % _NBUF
                gwait(s)
                drain(j0 + k, s)
                jnext = j0 + k + _NBUF - 1

                @pl.when(jnext < nchunk)
                def _():
                    @pl.when(g + k > 0)
                    def _():
                        dwait(s3)

                    fire(jnext, s3)

            return carry

        lax.fori_loop(0, ngroups, group, 0)
        for k in range(_NBUF):
            dwait(k)

    return gather


def kernel(idx, main_weight, lora_A, lora_B):
    b, l = idx.shape
    v, d = main_weight.shape
    rank = lora_A.shape[1]
    alpha = 32.0
    scale = alpha / rank

    merged = _merged_table(main_weight, lora_A, lora_B.T, scale)

    n = b * l
    assert n % (_NW * _CHUNK) == 0
    nchunk = n // (_NW * _CHUNK)
    idx2 = idx.astype(jnp.int32).T.reshape(_NW, nchunk * _CHUNK)
    rows = _make_gather(nchunk, d)(merged, idx2)
    return rows.reshape(l, b, d).transpose(1, 0, 2)

# --- scband reference (transcript-rebuilt; emitter-appended) ---
"""Pipeline reference for scband-lo-raembedding-39779987095663 (READ-ONLY COPY).

The authoritative reference and input builder live on the scoring server;
editing this copy changes nothing except your own understanding.
"""

import jax, jax.numpy as jnp
import numpy as np

VOCAB = 100000
N_EMBD = 128
RANK = 16
ALPHA = 32.0

def setup_inputs(seed: int = 0) -> dict:
    key = jax.random.key(seed)
    k1, k2, k3, k4 = jax.random.split(key, 4)
    idx = jax.random.randint(k1, (4096, 50), 0, VOCAB, dtype=jnp.int64) if jax.config.jax_enable_x64 else jax.random.randint(k1, (4096, 50), 0, VOCAB, dtype=jnp.int32)
    main_weight = jax.random.normal(k2, (VOCAB, N_EMBD), dtype=jnp.float32)
    lora_A = jax.random.normal(k3, (VOCAB, RANK), dtype=jnp.float32) * 0.02
    # torch inits lora_B to zeros; use small random values to exercise nontrivial math
    lora_B = jax.random.normal(k4, (N_EMBD, RANK), dtype=jnp.float32) * 0.02
    return {"idx": idx, "main_weight": main_weight, "lora_A": lora_A, "lora_B": lora_B}

def reference(idx, main_weight, lora_A, lora_B):
    # main embedding lookup (gather)
    main_output = jnp.take(main_weight, idx, axis=0)            # [B, L, n_embd]
    # LoRA path: gather low-rank rows, then project up via Linear(rank->n_embd)
    a = jnp.take(lora_A, idx, axis=0)                           # [B, L, rank]
    lora_output = a @ lora_B.T                                  # [B, L, n_embd]
    return main_output + (ALPHA / RANK) * lora_output

if __name__ == "__main__":
    import jax
    _d = setup_inputs()
    print(jax.jit(kernel)(*tuple(_d.values())))

</pallas_src>

<mosaic_0001>
#map = affine_map<(d0, d1) -> (0, 0)>
module attributes {stable_mosaic.version = 14 : i64} {
  func.func @gather(%arg0: i32, %arg1: i32, %arg2: memref<100000x128xf32, #tpu.memory_space<hbm>>, %arg3: memref<32x6400xi32, #tpu.memory_space<hbm>>, %arg4: memref<204800x128xf32, #tpu.memory_space<hbm>>, %arg5: memref<6400xi32, #tpu.memory_space<vmem>>, %arg6: memref<5x128x128xf32, #tpu.memory_space<vmem>>, %arg7: memref<!tpu.dma_semaphore, #tpu.memory_space<semaphore_mem>>, %arg8: memref<!tpu.dma_semaphore, #tpu.memory_space<semaphore_mem>>, %arg9: memref<!tpu.dma_semaphore, #tpu.memory_space<semaphore_mem>>, %arg10: memref<!tpu.dma_semaphore, #tpu.memory_space<semaphore_mem>>, %arg11: memref<!tpu.dma_semaphore, #tpu.memory_space<semaphore_mem>>, %arg12: memref<!tpu.dma_semaphore, #tpu.memory_space<semaphore_mem>>, %arg13: memref<!tpu.dma_semaphore, #tpu.memory_space<semaphore_mem>>, %arg14: memref<!tpu.dma_semaphore, #tpu.memory_space<semaphore_mem>>, %arg15: memref<!tpu.dma_semaphore, #tpu.memory_space<semaphore_mem>>, %arg16: memref<!tpu.dma_semaphore, #tpu.memory_space<semaphore_mem>>) attributes {dimension_semantics = [#tpu.dimension_semantics<core_parallel>, #tpu.dimension_semantics<subcore_parallel>], iteration_bounds = array<i64: 2, 16>, scalar_prefetch = 0 : i64, scratch_operands = 12 : i64, tpu.core_type = #tpu.core_type<sc_vector_subcore>, window_params = [{transform_indices = #map}, {transform_indices = #map}, {transform_indices = #map}]} {
    %mul3A = arith.constant 2 : i32
    %mul3A_0 = arith.muli %arg1, %mul3A : i32
    %add3A = arith.addi %mul3A_0, %arg0 : i32
    %mul3A_1 = arith.constant 6400 : i32
    %mul3A_2 = arith.muli %add3A, %mul3A_1 : i32
    "tpu.region"() ({
      %run_scoped3A = tpu.sem_alloc : memref<!tpu.dma_semaphore, #tpu.memory_space<semaphore_mem>>
      %dma_start3A_111 = arith.constant 0 : i32
      %dma_start3A_112 = tpu.memref_slice %arg3[%add3A, %dma_start3A_111] : memref<32x6400xi32, #tpu.memory_space<hbm>> -> memref<1x6400xi32, #tpu.memory_space<hbm>>
      %dma_start3A_113 = tpu.memref_squeeze %dma_start3A_112 : memref<1x6400xi32, #tpu.memory_space<hbm>> -> memref<6400xi32, #tpu.memory_space<hbm>>
      %dma_start3A_114 = arith.constant 0 : i32
      %dma_start3A_115 = tpu.memref_slice %arg3[%add3A, %dma_start3A_114] : memref<32x6400xi32, #tpu.memory_space<hbm>> -> memref<1x6400xi32, #tpu.memory_space<hbm>>
      %dma_start3A_116 = tpu.memref_squeeze %dma_start3A_115 : memref<1x6400xi32, #tpu.memory_space<hbm>> -> memref<6400xi32, #tpu.memory_space<hbm>>
      tpu.enqueue_dma source(%dma_start3A_116 : memref<6400xi32, #tpu.memory_space<hbm>>) target(%arg5 : memref<6400xi32, #tpu.memory_space<vmem>>) target_semaphore(%run_scoped3A : memref<!tpu.dma_semaphore, #tpu.memory_space<semaphore_mem>>)
      %dma_wait3A_117 = arith.constant 0 : i32
      %dma_wait3A_118 = tpu.memref_slice %arg3[%add3A, %dma_wait3A_117] : memref<32x6400xi32, #tpu.memory_space<hbm>> -> memref<1x6400xi32, #tpu.memory_space<hbm>>
      %dma_wait3A_119 = tpu.memref_squeeze %dma_wait3A_118 : memref<1x6400xi32, #tpu.memory_space<hbm>> -> memref<6400xi32, #tpu.memory_space<hbm>>
      %dma_wait3A_120 = arith.constant 0 : i32
      %dma_wait3A_121 = tpu.memref_slice %arg3[%add3A, %dma_wait3A_120] : memref<32x6400xi32, #tpu.memory_space<hbm>> -> memref<1x6400xi32, #tpu.memory_space<hbm>>
      %dma_wait3A_122 = tpu.memref_squeeze %dma_wait3A_121 : memref<1x6400xi32, #tpu.memory_space<hbm>> -> memref<6400xi32, #tpu.memory_space<hbm>>
      tpu.wait_dma2 semaphore(%run_scoped3A : memref<!tpu.dma_semaphore, #tpu.memory_space<semaphore_mem>>) src(%dma_wait3A_122 : memref<6400xi32, #tpu.memory_space<hbm>>) dst(%arg5 : memref<6400xi32, #tpu.memory_space<vmem>>)
      tpu.yield
    }) : () -> ()
    %dma_start3A = arith.constant 0 : i32
    %dma_start3A_3 = arith.constant 0 : i32
    %dma_start3A_4 = arith.constant 0 : i32
    %dma_start3A_5 = tpu.memref_slice %arg6[%dma_start3A, %dma_start3A_3, %dma_start3A_4] : memref<5x128x128xf32, #tpu.memory_space<vmem>> -> memref<1x128x128xf32, #tpu.memory_space<vmem>>
    %dma_start3A_6 = tpu.memref_squeeze %dma_start3A_5 : memref<1x128x128xf32, #tpu.memory_space<vmem>> -> memref<128x128xf32, #tpu.memory_space<vmem>>
    %dma_start3A_7 = arith.constant 0 : i32
    %dma_start3A_8 = tpu.memref_slice %arg5[%dma_start3A_7] : memref<6400xi32, #tpu.memory_space<vmem>> -> memref<128xi32, #tpu.memory_space<vmem>>
    %dma_start3A_9 = arith.constant 0 : i32
    %dma_start3A_10 = arith.constant 0 : i32
    %dma_start3A_11 = tpu.memref_slice %arg2[%dma_start3A_9, %dma_start3A_10] : memref<100000x128xf32, #tpu.memory_space<hbm>> -> memref<100000x128xf32, #tpu.memory_space<hbm>>
    tpu.enqueue_indirect_dma source(%dma_start3A_11 : memref<100000x128xf32, #tpu.memory_space<hbm>>) target(%dma_start3A_6 : memref<128x128xf32, #tpu.memory_space<vmem>>) offsets(%dma_start3A_8 : memref<128xi32, #tpu.memory_space<vmem>>) semaphore(%arg7 : memref<!tpu.dma_semaphore, #tpu.memory_space<semaphore_mem>>)
    %dma_start3A_12 = arith.constant 1 : i32
    %dma_start3A_13 = arith.constant 0 : i32
    %dma_start3A_14 = arith.constant 0 : i32
    %dma_start3A_15 = tpu.memref_slice %arg6[%dma_start3A_12, %dma_start3A_13, %dma_start3A_14] : memref<5x128x128xf32, #tpu.memory_space<vmem>> -> memref<1x128x128xf32, #tpu.memory_space<vmem>>
    %dma_start3A_16 = tpu.memref_squeeze %dma_start3A_15 : memref<1x128x128xf32, #tpu.memory_space<vmem>> -> memref<128x128xf32, #tpu.memory_space<vmem>>
    %dma_start3A_17 = arith.constant 128 : i32
    %dma_start3A_18 = tpu.memref_slice %arg5[%dma_start3A_17] : memref<6400xi32, #tpu.memory_space<vmem>> -> memref<128xi32, #tpu.memory_space<vmem>>
    %dma_start3A_19 = arith.constant 0 : i32
    %dma_start3A_20 = arith.constant 0 : i32
    %dma_start3A_21 = tpu.memref_slice %arg2[%dma_start3A_19, %dma_start3A_20] : memref<100000x128xf32, #tpu.memory_space<hbm>> -> memref<100000x128xf32, #tpu.memory_space<hbm>>
    tpu.enqueue_indirect_dma source(%dma_start3A_21 : memref<100000x128xf32, #tpu.memory_space<hbm>>) target(%dma_start3A_16 : memref<128x128xf32, #tpu.memory_space<vmem>>) offsets(%dma_start3A_18 : memref<128xi32, #tpu.memory_space<vmem>>) semaphore(%arg8 : memref<!tpu.dma_semaphore, #tpu.memory_space<semaphore_mem>>)
    %dma_start3A_22 = arith.constant 2 : i32
    %dma_start3A_23 = arith.constant 0 : i32
    %dma_start3A_24 = arith.constant 0 : i32
    %dma_start3A_25 = tpu.memref_slice %arg6[%dma_start3A_22, %dma_start3A_23, %dma_start3A_24] : memref<5x128x128xf32, #tpu.memory_space<vmem>> -> memref<1x128x128xf32, #tpu.memory_space<vmem>>
    %dma_start3A_26 = tpu.memref_squeeze %dma_start3A_25 : memref<1x128x128xf32, #tpu.memory_space<vmem>> -> memref<128x128xf32, #tpu.memory_space<vmem>>
    %dma_start3A_27 = arith.constant 256 : i32
    %dma_start3A_28 = tpu.memref_slice %arg5[%dma_start3A_27] : memref<6400xi32, #tpu.memory_space<vmem>> -> memref<128xi32, #tpu.memory_space<vmem>>
    %dma_start3A_29 = arith.constant 0 : i32
    %dma_start3A_30 = arith.constant 0 : i32
    %dma_start3A_31 = tpu.memref_slice %arg2[%dma_start3A_29, %dma_start3A_30] : memref<100000x128xf32, #tpu.memory_space<hbm>> -> memref<100000x128xf32, #tpu.memory_space<hbm>>
    tpu.enqueue_indirect_dma source(%dma_start3A_31 : memref<100000x128xf32, #tpu.memory_space<hbm>>) target(%dma_start3A_26 : memref<128x128xf32, #tpu.memory_space<vmem>>) offsets(%dma_start3A_28 : memref<128xi32, #tpu.memory_space<vmem>>) semaphore(%arg9 : memref<!tpu.dma_semaphore, #tpu.memory_space<semaphore_mem>>)
    %dma_start3A_32 = arith.constant 3 : i32
    %dma_start3A_33 = arith.constant 0 : i32
    %dma_start3A_34 = arith.constant 0 : i32
    %dma_start3A_35 = tpu.memref_slice %arg6[%dma_start3A_32, %dma_start3A_33, %dma_start3A_34] : memref<5x128x128xf32, #tpu.memory_space<vmem>> -> memref<1x128x128xf32, #tpu.memory_space<vmem>>
    %dma_start3A_36 = tpu.memref_squeeze %dma_start3A_35 : memref<1x128x128xf32, #tpu.memory_space<vmem>> -> memref<128x128xf32, #tpu.memory_space<vmem>>
    %dma_start3A_37 = arith.constant 384 : i32
    %dma_start3A_38 = tpu.memref_slice %arg5[%dma_start3A_37] : memref<6400xi32, #tpu.memory_space<vmem>> -> memref<128xi32, #tpu.memory_space<vmem>>
    %dma_start3A_39 = arith.constant 0 : i32
    %dma_start3A_40 = arith.constant 0 : i32
    %dma_start3A_41 = tpu.memref_slice %arg2[%dma_start3A_39, %dma_start3A_40] : memref<100000x128xf32, #tpu.memory_space<hbm>> -> memref<100000x128xf32, #tpu.memory_space<hbm>>
    tpu.enqueue_indirect_dma source(%dma_start3A_41 : memref<100000x128xf32, #tpu.memory_space<hbm>>) target(%dma_start3A_36 : memref<128x128xf32, #tpu.memory_space<vmem>>) offsets(%dma_start3A_38 : memref<128xi32, #tpu.memory_space<vmem>>) semaphore(%arg10 : memref<!tpu.dma_semaphore, #tpu.memory_space<semaphore_mem>>)
    %scan3A = arith.constant 0 : i32
    %scan3A_42 = arith.constant 0 : i32
    %scan3A_43 = arith.constant 10 : i32
    %scan3A_44 = arith.addi %scan3A_42, %scan3A_43 : i32
    %scan3A_45 = arith.constant 1 : i32
    scf.for %scan3A_111 = %scan3A_42 to %scan3A_44 step %scan3A_45  : i32 {
      %mul3A_112 = arith.constant 5 : i32
      %mul3A_113 = arith.muli %scan3A_111, %mul3A_112 : i32
      %dma_wait3A_114 = arith.constant 0 : i32
      %dma_wait3A_115 = arith.constant 0 : i32
      %dma_wait3A_116 = arith.constant 0 : i32
      %dma_wait3A_117 = tpu.memref_slice %arg6[%dma_wait3A_114, %dma_wait3A_115, %dma_wait3A_116] : memref<5x128x128xf32, #tpu.memory_space<vmem>> -> memref<1x128x128xf32, #tpu.memory_space<vmem>>
      %dma_wait3A_118 = tpu.memref_squeeze %dma_wait3A_117 : memref<1x128x128xf32, #tpu.memory_space<vmem>> -> memref<128x128xf32, #tpu.memory_space<vmem>>
      %dma_wait3A_119 = arith.constant 0 : i32
      %dma_wait3A_120 = tpu.memref_slice %arg5[%dma_wait3A_119] : memref<6400xi32, #tpu.memory_space<vmem>> -> memref<128xi32, #tpu.memory_space<vmem>>
      %dma_wait3A_121 = arith.constant 0 : i32
      %dma_wait3A_122 = arith.constant 0 : i32
      %dma_wait3A_123 = tpu.memref_slice %arg2[%dma_wait3A_121, %dma_wait3A_122] : memref<100000x128xf32, #tpu.memory_space<hbm>> -> memref<100000x128xf32, #tpu.memory_space<hbm>>
      tpu.wait_indirect_dma semaphore(%arg7 : memref<!tpu.dma_semaphore, #tpu.memory_space<semaphore_mem>>) src(%dma_wait3A_123 : memref<100000x128xf32, #tpu.memory_space<hbm>>) dst(%dma_wait3A_118 : memref<128x128xf32, #tpu.memory_space<vmem>>)
      %add3A_124 = arith.constant 0 : i32
      %add3A_125 = arith.addi %mul3A_113, %add3A_124 : i32
      %mul3A_126 = arith.constant 128 : i32
      %mul3A_127 = arith.muli %add3A_125, %mul3A_126 : i32
      %add3A_128 = arith.addi %mul3A_2, %mul3A_127 : i32
      %dma_start3A_129 = arith.constant 0 : i32
      %dma_start3A_130 = arith.constant 0 : i32
      %dma_start3A_131 = arith.constant 0 : i32
      %dma_start3A_132 = tpu.memref_slice %arg6[%dma_start3A_129, %dma_start3A_130, %dma_start3A_131] : memref<5x128x128xf32, #tpu.memory_space<vmem>> -> memref<1x128x128xf32, #tpu.memory_space<vmem>>
      %dma_start3A_133 = tpu.memref_squeeze %dma_start3A_132 : memref<1x128x128xf32, #tpu.memory_space<vmem>> -> memref<128x128xf32, #tpu.memory_space<vmem>>
      %dma_start3A_134 = arith.constant 0 : i32
      %dma_start3A_135 = tpu.memref_slice %arg4[%add3A_128, %dma_start3A_134] : memref<204800x128xf32, #tpu.memory_space<hbm>> -> memref<128x128xf32, #tpu.memory_space<hbm>>
      %dma_start3A_136 = arith.constant 0 : i32
      %dma_start3A_137 = tpu.memref_slice %arg4[%add3A_128, %dma_start3A_136] : memref<204800x128xf32, #tpu.memory_space<hbm>> -> memref<128x128xf32, #tpu.memory_space<hbm>>
      %dma_start3A_138 = arith.constant 0 : i32
      %dma_start3A_139 = arith.constant 0 : i32
      %dma_start3A_140 = tpu.memref_slice %arg6[%dma_start3A_129, %dma_start3A_138, %dma_start3A_139] : memref<5x128x128xf32, #tpu.memory_space<vmem>> -> memref<1x128x128xf32, #tpu.memory_space<vmem>>
      %dma_start3A_141 = tpu.memref_squeeze %dma_start3A_140 : memref<1x128x128xf32, #tpu.memory_space<vmem>> -> memref<128x128xf32, #tpu.memory_space<vmem>>
      tpu.enqueue_dma source(%dma_start3A_141 : memref<128x128xf32, #tpu.memory_space<vmem>>) target(%dma_start3A_137 : memref<128x128xf32, #tpu.memory_space<hbm>>) target_semaphore(%arg12 : memref<!tpu.dma_semaphore, #tpu.memory_space<semaphore_mem>>)
      %add3A_142 = arith.constant 0 : i32
      %add3A_143 = arith.addi %mul3A_113, %add3A_142 : i32
      %add3A_144 = arith.constant 5 : i32
      %add3A_145 = arith.addi %add3A_143, %add3A_144 : i32
      %sub3A = arith.constant 1 : i32
      %sub3A_146 = arith.subi %add3A_145, %sub3A : i32
      %lt3A = arith.constant 50 : i32
      %lt3A_147 = arith.cmpi slt, %sub3A_146, %lt3A : i32
      %convert_element_type3A = arith.extui %lt3A_147 : i1 to i32
      %cond3A = arith.constant 0 : i32
      %cond3A_148 = arith.cmpi ne, %convert_element_type3A, %cond3A : i32
      scf.if %cond3A_148 {
        %add3A_305 = arith.constant 0 : i32
        %add3A_306 = arith.addi %scan3A_111, %add3A_305 : i32
        %gt3A = arith.constant 0 : i32
        %gt3A_307 = arith.cmpi sgt, %add3A_306, %gt3A : i32
        %convert_element_type3A_308 = arith.extui %gt3A_307 : i1 to i32
        %cond3A_309 = arith.constant 0 : i32
        %cond3A_310 = arith.cmpi ne, %convert_element_type3A_308, %cond3A_309 : i32
        scf.if %cond3A_310 {
          %dma_wait3A_322 = arith.constant 4 : i32
          %dma_wait3A_323 = arith.constant 0 : i32
          %dma_wait3A_324 = arith.constant 0 : i32
          %dma_wait3A_325 = tpu.memref_slice %arg6[%dma_wait3A_322, %dma_wait3A_323, %dma_wait3A_324] : memref<5x128x128xf32, #tpu.memory_space<vmem>> -> memref<1x128x128xf32, #tpu.memory_space<vmem>>
          %dma_wait3A_326 = tpu.memref_squeeze %dma_wait3A_325 : memref<1x128x128xf32, #tpu.memory_space<vmem>> -> memref<128x128xf32, #tpu.memory_space<vmem>>
          %dma_wait3A_327 = arith.constant 0 : i32
          %dma_wait3A_328 = tpu.memref_slice %arg4[%mul3A_2, %dma_wait3A_327] : memref<204800x128xf32, #tpu.memory_space<hbm>> -> memref<128x128xf32, #tpu.memory_space<hbm>>
          %dma_wait3A_329 = arith.constant 0 : i32
          %dma_wait3A_330 = tpu.memref_slice %arg4[%mul3A_2, %dma_wait3A_329] : memref<204800x128xf32, #tpu.memory_space<hbm>> -> memref<128x128xf32, #tpu.memory_space<hbm>>
          %dma_wait3A_331 = arith.constant 0 : i32
          %dma_wait3A_332 = arith.constant 0 : i32
          %dma_wait3A_333 = tpu.memref_slice %arg6[%dma_wait3A_322, %dma_wait3A_331, %dma_wait3A_332] : memref<5x128x128xf32, #tpu.memory_space<vmem>> -> memref<1x128x128xf32, #tpu.memory_space<vmem>>
          %dma_wait3A_334 = tpu.memref_squeeze %dma_wait3A_333 : memref<1x128x128xf32, #tpu.memory_space<vmem>> -> memref<128x128xf32, #tpu.memory_space<vmem>>
          tpu.wait_dma2 semaphore(%arg16 : memref<!tpu.dma_semaphore, #tpu.memory_space<semaphore_mem>>) src(%dma_wait3A_334 : memref<128x128xf32, #tpu.memory_space<vmem>>) dst(%dma_wait3A_330 : memref<128x128xf32, #tpu.memory_space<hbm>>)
        } else {
        }
        %mul3A_311 = arith.constant 128 : i32
        %mul3A_312 = arith.muli %sub3A_146, %mul3A_311 : i32
        %dma_start3A_313 = arith.constant 4 : i32
        %dma_start3A_314 = arith.constant 0 : i32
        %dma_start3A_315 = arith.constant 0 : i32
        %dma_start3A_316 = tpu.memref_slice %arg6[%dma_start3A_313, %dma_start3A_314, %dma_start3A_315] : memref<5x128x128xf32, #tpu.memory_space<vmem>> -> memref<1x128x128xf32, #tpu.memory_space<vmem>>
        %dma_start3A_317 = tpu.memref_squeeze %dma_start3A_316 : memref<1x128x128xf32, #tpu.memory_space<vmem>> -> memref<128x128xf32, #tpu.memory_space<vmem>>
        %dma_start3A_318 = tpu.memref_slice %arg5[%mul3A_312] : memref<6400xi32, #tpu.memory_space<vmem>> -> memref<128xi32, #tpu.memory_space<vmem>>
        %dma_start3A_319 = arith.constant 0 : i32
        %dma_start3A_320 = arith.constant 0 : i32
        %dma_start3A_321 = tpu.memref_slice %arg2[%dma_start3A_319, %dma_start3A_320] : memref<100000x128xf32, #tpu.memory_space<hbm>> -> memref<100000x128xf32, #tpu.memory_space<hbm>>
        tpu.enqueue_indirect_dma source(%dma_start3A_321 : memref<100000x128xf32, #tpu.memory_space<hbm>>) target(%dma_start3A_317 : memref<128x128xf32, #tpu.memory_space<vmem>>) offsets(%dma_start3A_318 : memref<128xi32, #tpu.memory_space<vmem>>) semaphore(%arg11 : memref<!tpu.dma_semaphore, #tpu.memory_space<semaphore_mem>>)
      } else {
      }
      %dma_wait3A_149 = arith.constant 1 : i32
      %dma_wait3A_150 = arith.constant 0 : i32
      %dma_wait3A_151 = arith.constant 0 : i32
      %dma_wait3A_152 = tpu.memref_slice %arg6[%dma_wait3A_149, %dma_wait3A_150, %dma_wait3A_151] : memref<5x128x128xf32, #tpu.memory_space<vmem>> -> memref<1x128x128xf32, #tpu.memory_space<vmem>>
      %dma_wait3A_153 = tpu.memref_squeeze %dma_wait3A_152 : memref<1x128x128xf32, #tpu.memory_space<vmem>> -> memref<128x128xf32, #tpu.memory_space<vmem>>
      %dma_wait3A_154 = arith.constant 0 : i32
      %dma_wait3A_155 = tpu.memref_slice %arg5[%dma_wait3A_154] : memref<6400xi32, #tpu.memory_space<vmem>> -> memref<128xi32, #tpu.memory_space<vmem>>
      %dma_wait3A_156 = arith.constant 0 : i32
      %dma_wait3A_157 = arith.constant 0 : i32
      %dma_wait3A_158 = tpu.memref_slice %arg2[%dma_wait3A_156, %dma_wait3A_157] : memref<100000x128xf32, #tpu.memory_space<hbm>> -> memref<100000x128xf32, #tpu.memory_space<hbm>>
      tpu.wait_indirect_dma semaphore(%arg8 : memref<!tpu.dma_semaphore, #tpu.memory_space<semaphore_mem>>) src(%dma_wait3A_158 : memref<100000x128xf32, #tpu.memory_space<hbm>>) dst(%dma_wait3A_153 : memref<128x128xf32, #tpu.memory_space<vmem>>)
      %add3A_159 = arith.constant 1 : i32
      %add3A_160 = arith.addi %mul3A_113, %add3A_159 : i32
      %mul3A_161 = arith.constant 128 : i32
      %mul3A_162 = arith.muli %add3A_160, %mul3A_161 : i32
      %add3A_163 = arith.addi %mul3A_2, %mul3A_162 : i32
      %dma_start3A_164 = arith.constant 1 : i32
      %dma_start3A_165 = arith.constant 0 : i32
      %dma_start3A_166 = arith.constant 0 : i32
      %dma_start3A_167 = tpu.memref_slice %arg6[%dma_start3A_164, %dma_start3A_165, %dma_start3A_166] : memref<5x128x128xf32, #tpu.memory_space<vmem>> -> memref<1x128x128xf32, #tpu.memory_space<vmem>>
      %dma_start3A_168 = tpu.memref_squeeze %dma_start3A_167 : memref<1x128x128xf32, #tpu.memory_space<vmem>> -> memref<128x128xf32, #tpu.memory_space<vmem>>
      %dma_start3A_169 = arith.constant 0 : i32
      %dma_start3A_170 = tpu.memref_slice %arg4[%add3A_163, %dma_start3A_169] : memref<204800x128xf32, #tpu.memory_space<hbm>> -> memref<128x128xf32, #tpu.memory_space<hbm>>
      %dma_start3A_171 = arith.constant 0 : i32
      %dma_start3A_172 = tpu.memref_slice %arg4[%add3A_163, %dma_start3A_171] : memref<204800x128xf32, #tpu.memory_space<hbm>> -> memref<128x128xf32, #tpu.memory_space<hbm>>
      %dma_start3A_173 = arith.constant 0 : i32
      %dma_start3A_174 = arith.constant 0 : i32
      %dma_start3A_175 = tpu.memref_slice %arg6[%dma_start3A_164, %dma_start3A_173, %dma_start3A_174] : memref<5x128x128xf32, #tpu.memory_space<vmem>> -> memref<1x128x128xf32, #tpu.memory_space<vmem>>
      %dma_start3A_176 = tpu.memref_squeeze %dma_start3A_175 : memref<1x128x128xf32, #tpu.memory_space<vmem>> -> memref<128x128xf32, #tpu.memory_space<vmem>>
      tpu.enqueue_dma source(%dma_start3A_176 : memref<128x128xf32, #tpu.memory_space<vmem>>) target(%dma_start3A_172 : memref<128x128xf32, #tpu.memory_space<hbm>>) target_semaphore(%arg13 : memref<!tpu.dma_semaphore, #tpu.memory_space<semaphore_mem>>)
      %add3A_177 = arith.constant 1 : i32
      %add3A_178 = arith.addi %mul3A_113, %add3A_177 : i32
      %add3A_179 = arith.constant 5 : i32
      %add3A_180 = arith.addi %add3A_178, %add3A_179 : i32
      %sub3A_181 = arith.constant 1 : i32
      %sub3A_182 = arith.subi %add3A_180, %sub3A_181 : i32
      %lt3A_183 = arith.constant 50 : i32
      %lt3A_184 = arith.cmpi slt, %sub3A_182, %lt3A_183 : i32
      %convert_element_type3A_185 = arith.extui %lt3A_184 : i1 to i32
      %cond3A_186 = arith.constant 0 : i32
      %cond3A_187 = arith.cmpi ne, %convert_element_type3A_185, %cond3A_186 : i32
      scf.if %cond3A_187 {
        %add3A_305 = arith.constant 1 : i32
        %add3A_306 = arith.addi %scan3A_111, %add3A_305 : i32
        %gt3A = arith.constant 0 : i32
        %gt3A_307 = arith.cmpi sgt, %add3A_306, %gt3A : i32
        %convert_element_type3A_308 = arith.extui %gt3A_307 : i1 to i32
        %cond3A_309 = arith.constant 0 : i32
        %cond3A_310 = arith.cmpi ne, %convert_element_type3A_308, %cond3A_309 : i32
        scf.if %cond3A_310 {
          %dma_wait3A_322 = arith.constant 0 : i32
          %dma_wait3A_323 = arith.constant 0 : i32
          %dma_wait3A_324 = arith.constant 0 : i32
          %dma_wait3A_325 = tpu.memref_slice %arg6[%dma_wait3A_322, %dma_wait3A_323, %dma_wait3A_324] : memref<5x128x128xf32, #tpu.memory_space<vmem>> -> memref<1x128x128xf32, #tpu.memory_space<vmem>>
          %dma_wait3A_326 = tpu.memref_squeeze %dma_wait3A_325 : memref<1x128x128xf32, #tpu.memory_space<vmem>> -> memref<128x128xf32, #tpu.memory_space<vmem>>
          %dma_wait3A_327 = arith.constant 0 : i32
          %dma_wait3A_328 = tpu.memref_slice %arg4[%mul3A_2, %dma_wait3A_327] : memref<204800x128xf32, #tpu.memory_space<hbm>> -> memref<128x128xf32, #tpu.memory_space<hbm>>
          %dma_wait3A_329 = arith.constant 0 : i32
          %dma_wait3A_330 = tpu.memref_slice %arg4[%mul3A_2, %dma_wait3A_329] : memref<204800x128xf32, #tpu.memory_space<hbm>> -> memref<128x128xf32, #tpu.memory_space<hbm>>
          %dma_wait3A_331 = arith.constant 0 : i32
          %dma_wait3A_332 = arith.constant 0 : i32
          %dma_wait3A_333 = tpu.memref_slice %arg6[%dma_wait3A_322, %dma_wait3A_331, %dma_wait3A_332] : memref<5x128x128xf32, #tpu.memory_space<vmem>> -> memref<1x128x128xf32, #tpu.memory_space<vmem>>
          %dma_wait3A_334 = tpu.memref_squeeze %dma_wait3A_333 : memref<1x128x128xf32, #tpu.memory_space<vmem>> -> memref<128x128xf32, #tpu.memory_space<vmem>>
          tpu.wait_dma2 semaphore(%arg12 : memref<!tpu.dma_semaphore, #tpu.memory_space<semaphore_mem>>) src(%dma_wait3A_334 : memref<128x128xf32, #tpu.memory_space<vmem>>) dst(%dma_wait3A_330 : memref<128x128xf32, #tpu.memory_space<hbm>>)
        } else {
        }
        %mul3A_311 = arith.constant 128 : i32
        %mul3A_312 = arith.muli %sub3A_182, %mul3A_311 : i32
        %dma_start3A_313 = arith.constant 0 : i32
        %dma_start3A_314 = arith.constant 0 : i32
        %dma_start3A_315 = arith.constant 0 : i32
        %dma_start3A_316 = tpu.memref_slice %arg6[%dma_start3A_313, %dma_start3A_314, %dma_start3A_315] : memref<5x128x128xf32, #tpu.memory_space<vmem>> -> memref<1x128x128xf32, #tpu.memory_space<vmem>>
        %dma_start3A_317 = tpu.memref_squeeze %dma_start3A_316 : memref<1x128x128xf32, #tpu.memory_space<vmem>> -> memref<128x128xf32, #tpu.memory_space<vmem>>
        %dma_start3A_318 = tpu.memref_slice %arg5[%mul3A_312] : memref<6400xi32, #tpu.memory_space<vmem>> -> memref<128xi32, #tpu.memory_space<vmem>>
        %dma_start3A_319 = arith.constant 0 : i32
        %dma_start3A_320 = arith.constant 0 : i32
        %dma_start3A_321 = tpu.memref_slice %arg2[%dma_start3A_319, %dma_start3A_320] : memref<100000x128xf32, #tpu.memory_space<hbm>> -> memref<100000x128xf32, #tpu.memory_space<hbm>>
        tpu.enqueue_indirect_dma source(%dma_start3A_321 : memref<100000x128xf32, #tpu.memory_space<hbm>>) target(%dma_start3A_317 : memref<128x128xf32, #tpu.memory_space<vmem>>) offsets(%dma_start3A_318 : memref<128xi32, #tpu.memory_space<vmem>>) semaphore(%arg7 : memref<!tpu.dma_semaphore, #tpu.memory_space<semaphore_mem>>)
      } else {
      }
      %dma_wait3A_188 = arith.constant 2 : i32
      %dma_wait3A_189 = arith.constant 0 : i32
      %dma_wait3A_190 = arith.constant 0 : i32
      %dma_wait3A_191 = tpu.memref_slice %arg6[%dma_wait3A_188, %dma_wait3A_189, %dma_wait3A_190] : memref<5x128x128xf32, #tpu.memory_space<vmem>> -> memref<1x128x128xf32, #tpu.memory_space<vmem>>
      %dma_wait3A_192 = tpu.memref_squeeze %dma_wait3A_191 : memref<1x128x128xf32, #tpu.memory_space<vmem>> -> memref<128x128xf32, #tpu.memory_space<vmem>>
      %dma_wait3A_193 = arith.constant 0 : i32
      %dma_wait3A_194 = tpu.memref_slice %arg5[%dma_wait3A_193] : memref<6400xi32, #tpu.memory_space<vmem>> -> memref<128xi32, #tpu.memory_space<vmem>>
      %dma_wait3A_195 = arith.constant 0 : i32
      %dma_wait3A_196 = arith.constant 0 : i32
      %dma_wait3A_197 = tpu.memref_slice %arg2[%dma_wait3A_195, %dma_wait3A_196] : memref<100000x128xf32, #tpu.memory_space<hbm>> -> memref<100000x128xf32, #tpu.memory_space<hbm>>
      tpu.wait_indirect_dma semaphore(%arg9 : memref<!tpu.dma_semaphore, #tpu.memory_space<semaphore_mem>>) src(%dma_wait3A_197 : memref<100000x128xf32, #tpu.memory_space<hbm>>) dst(%dma_wait3A_192 : memref<128x128xf32, #tpu.memory_space<vmem>>)
      %add3A_198 = arith.constant 2 : i32
      %add3A_199 = arith.addi %mul3A_113, %add3A_198 : i32
      %mul3A_200 = arith.constant 128 : i32
      %mul3A_201 = arith.muli %add3A_199, %mul3A_200 : i32
      %add3A_202 = arith.addi %mul3A_2, %mul3A_201 : i32
      %dma_start3A_203 = arith.constant 2 : i32
      %dma_start3A_204 = arith.constant 0 : i32
      %dma_start3A_205 = arith.constant 0 : i32
      %dma_start3A_206 = tpu.memref_slice %arg6[%dma_start3A_203, %dma_start3A_204, %dma_start3A_205] : memref<5x128x128xf32, #tpu.memory_space<vmem>> -> memref<1x128x128xf32, #tpu.memory_space<vmem>>
      %dma_start3A_207 = tpu.memref_squeeze %dma_start3A_206 : memref<1x128x128xf32, #tpu.memory_space<vmem>> -> memref<128x128xf32, #tpu.memory_space<vmem>>
      %dma_start3A_208 = arith.constant 0 : i32
      %dma_start3A_209 = tpu.memref_slice %arg4[%add3A_202, %dma_start3A_208] : memref<204800x128xf32, #tpu.memory_space<hbm>> -> memref<128x128xf32, #tpu.memory_space<hbm>>
      %dma_start3A_210 = arith.constant 0 : i32
      %dma_start3A_211 = tpu.memref_slice %arg4[%add3A_202, %dma_start3A_210] : memref<204800x128xf32, #tpu.memory_space<hbm>> -> memref<128x128xf32, #tpu.memory_space<hbm>>
      %dma_start3A_212 = arith.constant 0 : i32
      %dma_start3A_213 = arith.constant 0 : i32
      %dma_start3A_214 = tpu.memref_slice %arg6[%dma_start3A_203, %dma_start3A_212, %dma_start3A_213] : memref<5x128x128xf32, #tpu.memory_space<vmem>> -> memref<1x128x128xf32, #tpu.memory_space<vmem>>
      %dma_start3A_215 = tpu.memref_squeeze %dma_start3A_214 : memref<1x128x128xf32, #tpu.memory_space<vmem>> -> memref<128x128xf32, #tpu.memory_space<vmem>>
      tpu.enqueue_dma source(%dma_start3A_215 : memref<128x128xf32, #tpu.memory_space<vmem>>) target(%dma_start3A_211 : memref<128x128xf32, #tpu.memory_space<hbm>>) target_semaphore(%arg14 : memref<!tpu.dma_semaphore, #tpu.memory_space<semaphore_mem>>)
      %add3A_216 = arith.constant 2 : i32
      %add3A_217 = arith.addi %mul3A_113, %add3A_216 : i32
      %add3A_218 = arith.constant 5 : i32
      %add3A_219 = arith.addi %add3A_217, %add3A_218 : i32
      %sub3A_220 = arith.constant 1 : i32
      %sub3A_221 = arith.subi %add3A_219, %sub3A_220 : i32
      %lt3A_222 = arith.constant 50 : i32
      %lt3A_223 = arith.cmpi slt, %sub3A_221, %lt3A_222 : i32
      %convert_element_type3A_224 = arith.extui %lt3A_223 : i1 to i32
      %cond3A_225 = arith.constant 0 : i32
      %cond3A_226 = arith.cmpi ne, %convert_element_type3A_224, %cond3A_225 : i32
      scf.if %cond3A_226 {
        %add3A_305 = arith.constant 2 : i32
        %add3A_306 = arith.addi %scan3A_111, %add3A_305 : i32
        %gt3A = arith.constant 0 : i32
        %gt3A_307 = arith.cmpi sgt, %add3A_306, %gt3A : i32
        %convert_element_type3A_308 = arith.extui %gt3A_307 : i1 to i32
        %cond3A_309 = arith.constant 0 : i32
        %cond3A_310 = arith.cmpi ne, %convert_element_type3A_308, %cond3A_309 : i32
        scf.if %cond3A_310 {
          %dma_wait3A_322 = arith.constant 1 : i32
          %dma_wait3A_323 = arith.constant 0 : i32
          %dma_wait3A_324 = arith.constant 0 : i32
          %dma_wait3A_325 = tpu.memref_slice %arg6[%dma_wait3A_322, %dma_wait3A_323, %dma_wait3A_324] : memref<5x128x128xf32, #tpu.memory_space<vmem>> -> memref<1x128x128xf32, #tpu.memory_space<vmem>>
          %dma_wait3A_326 = tpu.memref_squeeze %dma_wait3A_325 : memref<1x128x128xf32, #tpu.memory_space<vmem>> -> memref<128x128xf32, #tpu.memory_space<vmem>>
          %dma_wait3A_327 = arith.constant 0 : i32
          %dma_wait3A_328 = tpu.memref_slice %arg4[%mul3A_2, %dma_wait3A_327] : memref<204800x128xf32, #tpu.memory_space<hbm>> -> memref<128x128xf32, #tpu.memory_space<hbm>>
          %dma_wait3A_329 = arith.constant 0 : i32
          %dma_wait3A_330 = tpu.memref_slice %arg4[%mul3A_2, %dma_wait3A_329] : memref<204800x128xf32, #tpu.memory_space<hbm>> -> memref<128x128xf32, #tpu.memory_space<hbm>>
          %dma_wait3A_331 = arith.constant 0 : i32
          %dma_wait3A_332 = arith.constant 0 : i32
          %dma_wait3A_333 = tpu.memref_slice %arg6[%dma_wait3A_322, %dma_wait3A_331, %dma_wait3A_332] : memref<5x128x128xf32, #tpu.memory_space<vmem>> -> memref<1x128x128xf32, #tpu.memory_space<vmem>>
          %dma_wait3A_334 = tpu.memref_squeeze %dma_wait3A_333 : memref<1x128x128xf32, #tpu.memory_space<vmem>> -> memref<128x128xf32, #tpu.memory_space<vmem>>
          tpu.wait_dma2 semaphore(%arg13 : memref<!tpu.dma_semaphore, #tpu.memory_space<semaphore_mem>>) src(%dma_wait3A_334 : memref<128x128xf32, #tpu.memory_space<vmem>>) dst(%dma_wait3A_330 : memref<128x128xf32, #tpu.memory_space<hbm>>)
        } else {
        }
        %mul3A_311 = arith.constant 128 : i32
        %mul3A_312 = arith.muli %sub3A_221, %mul3A_311 : i32
        %dma_start3A_313 = arith.constant 1 : i32
        %dma_start3A_314 = arith.constant 0 : i32
        %dma_start3A_315 = arith.constant 0 : i32
        %dma_start3A_316 = tpu.memref_slice %arg6[%dma_start3A_313, %dma_start3A_314, %dma_start3A_315] : memref<5x128x128xf32, #tpu.memory_space<vmem>> -> memref<1x128x128xf32, #tpu.memory_space<vmem>>
        %dma_start3A_317 = tpu.memref_squeeze %dma_start3A_316 : memref<1x128x128xf32, #tpu.memory_space<vmem>> -> memref<128x128xf32, #tpu.memory_space<vmem>>
        %dma_start3A_318 = tpu.memref_slice %arg5[%mul3A_312] : memref<6400xi32, #tpu.memory_space<vmem>> -> memref<128xi32, #tpu.memory_space<vmem>>
        %dma_start3A_319 = arith.constant 0 : i32
        %dma_start3A_320 = arith.constant 0 : i32
        %dma_start3A_321 = tpu.memref_slice %arg2[%dma_start3A_319, %dma_start3A_320] : memref<100000x128xf32, #tpu.memory_space<hbm>> -> memref<100000x128xf32, #tpu.memory_space<hbm>>
        tpu.enqueue_indirect_dma source(%dma_start3A_321 : memref<100000x128xf32, #tpu.memory_space<hbm>>) target(%dma_start3A_317 : memref<128x128xf32, #tpu.memory_space<vmem>>) offsets(%dma_start3A_318 : memref<128xi32, #tpu.memory_space<vmem>>) semaphore(%arg8 : memref<!tpu.dma_semaphore, #tpu.memory_space<semaphore_mem>>)
      } else {
      }
      %dma_wait3A_227 = arith.constant 3 : i32
      %dma_wait3A_228 = arith.constant 0 : i32
      %dma_wait3A_229 = arith.constant 0 : i32
      %dma_wait3A_230 = tpu.memref_slice %arg6[%dma_wait3A_227, %dma_wait3A_228, %dma_wait3A_229] : memref<5x128x128xf32, #tpu.memory_space<vmem>> -> memref<1x128x128xf32, #tpu.memory_space<vmem>>
      %dma_wait3A_231 = tpu.memref_squeeze %dma_wait3A_230 : memref<1x128x128xf32, #tpu.memory_space<vmem>> -> memref<128x128xf32, #tpu.memory_space<vmem>>
      %dma_wait3A_232 = arith.constant 0 : i32
      %dma_wait3A_233 = tpu.memref_slice %arg5[%dma_wait3A_232] : memref<6400xi32, #tpu.memory_space<vmem>> -> memref<128xi32, #tpu.memory_space<vmem>>
      %dma_wait3A_234 = arith.constant 0 : i32
      %dma_wait3A_235 = arith.constant 0 : i32
      %dma_wait3A_236 = tpu.memref_slice %arg2[%dma_wait3A_234, %dma_wait3A_235] : memref<100000x128xf32, #tpu.memory_space<hbm>> -> memref<100000x128xf32, #tpu.memory_space<hbm>>
      tpu.wait_indirect_dma semaphore(%arg10 : memref<!tpu.dma_semaphore, #tpu.memory_space<semaphore_mem>>) src(%dma_wait3A_236 : memref<100000x128xf32, #tpu.memory_space<hbm>>) dst(%dma_wait3A_231 : memref<128x128xf32, #tpu.memory_space<vmem>>)
      %add3A_237 = arith.constant 3 : i32
      %add3A_238 = arith.addi %mul3A_113, %add3A_237 : i32
      %mul3A_239 = arith.constant 128 : i32
      %mul3A_240 = arith.muli %add3A_238, %mul3A_239 : i32
      %add3A_241 = arith.addi %mul3A_2, %mul3A_240 : i32
      %dma_start3A_242 = arith.constant 3 : i32
      %dma_start3A_243 = arith.constant 0 : i32
      %dma_start3A_244 = arith.constant 0 : i32
      %dma_start3A_245 = tpu.memref_slice %arg6[%dma_start3A_242, %dma_start3A_243, %dma_start3A_244] : memref<5x128x128xf32, #tpu.memory_space<vmem>> -> memref<1x128x128xf32, #tpu.memory_space<vmem>>
      %dma_start3A_246 = tpu.memref_squeeze %dma_start3A_245 : memref<1x128x128xf32, #tpu.memory_space<vmem>> -> memref<128x128xf32, #tpu.memory_space<vmem>>
      %dma_start3A_247 = arith.constant 0 : i32
      %dma_start3A_248 = tpu.memref_slice %arg4[%add3A_241, %dma_start3A_247] : memref<204800x128xf32, #tpu.memory_space<hbm>> -> memref<128x128xf32, #tpu.memory_space<hbm>>
      %dma_start3A_249 = arith.constant 0 : i32
      %dma_start3A_250 = tpu.memref_slice %arg4[%add3A_241, %dma_start3A_249] : memref<204800x128xf32, #tpu.memory_space<hbm>> -> memref<128x128xf32, #tpu.memory_space<hbm>>
      %dma_start3A_251 = arith.constant 0 : i32
      %dma_start3A_252 = arith.constant 0 : i32
      %dma_start3A_253 = tpu.memref_slice %arg6[%dma_start3A_242, %dma_start3A_251, %dma_start3A_252] : memref<5x128x128xf32, #tpu.memory_space<vmem>> -> memref<1x128x128xf32, #tpu.memory_space<vmem>>
      %dma_start3A_254 = tpu.memref_squeeze %dma_start3A_253 : memref<1x128x128xf32, #tpu.memory_space<vmem>> -> memref<128x128xf32, #tpu.memory_space<vmem>>
      tpu.enqueue_dma source(%dma_start3A_254 : memref<128x128xf32, #tpu.memory_space<vmem>>) target(%dma_start3A_250 : memref<128x128xf32, #tpu.memory_space<hbm>>) target_semaphore(%arg15 : memref<!tpu.dma_semaphore, #tpu.memory_space<semaphore_mem>>)
      %add3A_255 = arith.constant 3 : i32
      %add3A_256 = arith.addi %mul3A_113, %add3A_255 : i32
      %add3A_257 = arith.constant 5 : i32
      %add3A_258 = arith.addi %add3A_256, %add3A_257 : i32
      %sub3A_259 = arith.constant 1 : i32
      %sub3A_260 = arith.subi %add3A_258, %sub3A_259 : i32
      %lt3A_261 = arith.constant 50 : i32
      %lt3A_262 = arith.cmpi slt, %sub3A_260, %lt3A_261 : i32
      %convert_element_type3A_263 = arith.extui %lt3A_262 : i1 to i32
      %cond3A_264 = arith.constant 0 : i32
      %cond3A_265 = arith.cmpi ne, %convert_element_type3A_263, %cond3A_264 : i32
      scf.if %cond3A_265 {
        %add3A_305 = arith.constant 3 : i32
        %add3A_306 = arith.addi %scan3A_111, %add3A_305 : i32
        %gt3A = arith.constant 0 : i32
        %gt3A_307 = arith.cmpi sgt, %add3A_306, %gt3A : i32
        %convert_element_type3A_308 = arith.extui %gt3A_307 : i1 to i32
        %cond3A_309 = arith.constant 0 : i32
        %cond3A_310 = arith.cmpi ne, %convert_element_type3A_308, %cond3A_309 : i32
        scf.if %cond3A_310 {
          %dma_wait3A_322 = arith.constant 2 : i32
          %dma_wait3A_323 = arith.constant 0 : i32
          %dma_wait3A_324 = arith.constant 0 : i32
          %dma_wait3A_325 = tpu.memref_slice %arg6[%dma_wait3A_322, %dma_wait3A_323, %dma_wait3A_324] : memref<5x128x128xf32, #tpu.memory_space<vmem>> -> memref<1x128x128xf32, #tpu.memory_space<vmem>>
          %dma_wait3A_326 = tpu.memref_squeeze %dma_wait3A_325 : memref<1x128x128xf32, #tpu.memory_space<vmem>> -> memref<128x128xf32, #tpu.memory_space<vmem>>
          %dma_wait3A_327 = arith.constant 0 : i32
          %dma_wait3A_328 = tpu.memref_slice %arg4[%mul3A_2, %dma_wait3A_327] : memref<204800x128xf32, #tpu.memory_space<hbm>> -> memref<128x128xf32, #tpu.memory_space<hbm>>
          %dma_wait3A_329 = arith.constant 0 : i32
          %dma_wait3A_330 = tpu.memref_slice %arg4[%mul3A_2, %dma_wait3A_329] : memref<204800x128xf32, #tpu.memory_space<hbm>> -> memref<128x128xf32, #tpu.memory_space<hbm>>
          %dma_wait3A_331 = arith.constant 0 : i32
          %dma_wait3A_332 = arith.constant 0 : i32
          %dma_wait3A_333 = tpu.memref_slice %arg6[%dma_wait3A_322, %dma_wait3A_331, %dma_wait3A_332] : memref<5x128x128xf32, #tpu.memory_space<vmem>> -> memref<1x128x128xf32, #tpu.memory_space<vmem>>
          %dma_wait3A_334 = tpu.memref_squeeze %dma_wait3A_333 : memref<1x128x128xf32, #tpu.memory_space<vmem>> -> memref<128x128xf32, #tpu.memory_space<vmem>>
          tpu.wait_dma2 semaphore(%arg14 : memref<!tpu.dma_semaphore, #tpu.memory_space<semaphore_mem>>) src(%dma_wait3A_334 : memref<128x128xf32, #tpu.memory_space<vmem>>) dst(%dma_wait3A_330 : memref<128x128xf32, #tpu.memory_space<hbm>>)
        } else {
        }
        %mul3A_311 = arith.constant 128 : i32
        %mul3A_312 = arith.muli %sub3A_260, %mul3A_311 : i32
        %dma_start3A_313 = arith.constant 2 : i32
        %dma_start3A_314 = arith.constant 0 : i32
        %dma_start3A_315 = arith.constant 0 : i32
        %dma_start3A_316 = tpu.memref_slice %arg6[%dma_start3A_313, %dma_start3A_314, %dma_start3A_315] : memref<5x128x128xf32, #tpu.memory_space<vmem>> -> memref<1x128x128xf32, #tpu.memory_space<vmem>>
        %dma_start3A_317 = tpu.memref_squeeze %dma_start3A_316 : memref<1x128x128xf32, #tpu.memory_space<vmem>> -> memref<128x128xf32, #tpu.memory_space<vmem>>
        %dma_start3A_318 = tpu.memref_slice %arg5[%mul3A_312] : memref<6400xi32, #tpu.memory_space<vmem>> -> memref<128xi32, #tpu.memory_space<vmem>>
        %dma_start3A_319 = arith.constant 0 : i32
        %dma_start3A_320 = arith.constant 0 : i32
        %dma_start3A_321 = tpu.memref_slice %arg2[%dma_start3A_319, %dma_start3A_320] : memref<100000x128xf32, #tpu.memory_space<hbm>> -> memref<100000x128xf32, #tpu.memory_space<hbm>>
        tpu.enqueue_indirect_dma source(%dma_start3A_321 : memref<100000x128xf32, #tpu.memory_space<hbm>>) target(%dma_start3A_317 : memref<128x128xf32, #tpu.memory_space<vmem>>) offsets(%dma_start3A_318 : memref<128xi32, #tpu.memory_space<vmem>>) semaphore(%arg9 : memref<!tpu.dma_semaphore, #tpu.memory_space<semaphore_mem>>)
      } else {
      }
      %dma_wait3A_266 = arith.constant 4 : i32
      %dma_wait3A_267 = arith.constant 0 : i32
      %dma_wait3A_268 = arith.constant 0 : i32
      %dma_wait3A_269 = tpu.memref_slice %arg6[%dma_wait3A_266, %dma_wait3A_267, %dma_wait3A_268] : memref<5x128x128xf32, #tpu.memory_space<vmem>> -> memref<1x128x128xf32, #tpu.memory_space<vmem>>
      %dma_wait3A_270 = tpu.memref_squeeze %dma_wait3A_269 : memref<1x128x128xf32, #tpu.memory_space<vmem>> -> memref<128x128xf32, #tpu.memory_space<vmem>>
      %dma_wait3A_271 = arith.constant 0 : i32
      %dma_wait3A_272 = tpu.memref_slice %arg5[%dma_wait3A_271] : memref<6400xi32, #tpu.memory_space<vmem>> -> memref<128xi32, #tpu.memory_space<vmem>>
      %dma_wait3A_273 = arith.constant 0 : i32
      %dma_wait3A_274 = arith.constant 0 : i32
      %dma_wait3A_275 = tpu.memref_slice %arg2[%dma_wait3A_273, %dma_wait3A_274] : memref<100000x128xf32, #tpu.memory_space<hbm>> -> memref<100000x128xf32, #tpu.memory_space<hbm>>
      tpu.wait_indirect_dma semaphore(%arg11 : memref<!tpu.dma_semaphore, #tpu.memory_space<semaphore_mem>>) src(%dma_wait3A_275 : memref<100000x128xf32, #tpu.memory_space<hbm>>) dst(%dma_wait3A_270 : memref<128x128xf32, #tpu.memory_space<vmem>>)
      %add3A_276 = arith.constant 4 : i32
      %add3A_277 = arith.addi %mul3A_113, %add3A_276 : i32
      %mul3A_278 = arith.constant 128 : i32
      %mul3A_279 = arith.muli %add3A_277, %mul3A_278 : i32
      %add3A_280 = arith.addi %mul3A_2, %mul3A_279 : i32
      %dma_start3A_281 = arith.constant 4 : i32
      %dma_start3A_282 = arith.constant 0 : i32
      %dma_start3A_283 = arith.constant 0 : i32
      %dma_start3A_284 = tpu.memref_slice %arg6[%dma_start3A_281, %dma_start3A_282, %dma_start3A_283] : memref<5x128x128xf32, #tpu.memory_space<vmem>> -> memref<1x128x128xf32, #tpu.memory_space<vmem>>
      %dma_start3A_285 = tpu.memref_squeeze %dma_start3A_284 : memref<1x128x128xf32, #tpu.memory_space<vmem>> -> memref<128x128xf32, #tpu.memory_space<vmem>>
      %dma_start3A_286 = arith.constant 0 : i32
      %dma_start3A_287 = tpu.memref_slice %arg4[%add3A_280, %dma_start3A_286] : memref<204800x128xf32, #tpu.memory_space<hbm>> -> memref<128x128xf32, #tpu.memory_space<hbm>>
      %dma_start3A_288 = arith.constant 0 : i32
      %dma_start3A_289 = tpu.memref_slice %arg4[%add3A_280, %dma_start3A_288] : memref<204800x128xf32, #tpu.memory_space<hbm>> -> memref<128x128xf32, #tpu.memory_space<hbm>>
      %dma_start3A_290 = arith.constant 0 : i32
      %dma_start3A_291 = arith.constant 0 : i32
      %dma_start3A_292 = tpu.memref_slice %arg6[%dma_start3A_281, %dma_start3A_290, %dma_start3A_291] : memref<5x128x128xf32, #tpu.memory_space<vmem>> -> memref<1x128x128xf32, #tpu.memory_space<vmem>>
      %dma_start3A_293 = tpu.memref_squeeze %dma_start3A_292 : memref<1x128x128xf32, #tpu.memory_space<vmem>> -> memref<128x128xf32, #tpu.memory_space<vmem>>
      tpu.enqueue_dma source(%dma_start3A_293 : memref<128x128xf32, #tpu.memory_space<vmem>>) target(%dma_start3A_289 : memref<128x128xf32, #tpu.memory_space<hbm>>) target_semaphore(%arg16 : memref<!tpu.dma_semaphore, #tpu.memory_space<semaphore_mem>>)
      %add3A_294 = arith.constant 4 : i32
      %add3A_295 = arith.addi %mul3A_113, %add3A_294 : i32
      %add3A_296 = arith.constant 5 : i32
      %add3A_297 = arith.addi %add3A_295, %add3A_296 : i32
      %sub3A_298 = arith.constant 1 : i32
      %sub3A_299 = arith.subi %add3A_297, %sub3A_298 : i32
      %lt3A_300 = arith.constant 50 : i32
      %lt3A_301 = arith.cmpi slt, %sub3A_299, %lt3A_300 : i32
      %convert_element_type3A_302 = arith.extui %lt3A_301 : i1 to i32
      %cond3A_303 = arith.constant 0 : i32
      %cond3A_304 = arith.cmpi ne, %convert_element_type3A_302, %cond3A_303 : i32
      scf.if %cond3A_304 {
        %add3A_305 = arith.constant 4 : i32
        %add3A_306 = arith.addi %scan3A_111, %add3A_305 : i32
        %gt3A = arith.constant 0 : i32
        %gt3A_307 = arith.cmpi sgt, %add3A_306, %gt3A : i32
        %convert_element_type3A_308 = arith.extui %gt3A_307 : i1 to i32
        %cond3A_309 = arith.constant 0 : i32
        %cond3A_310 = arith.cmpi ne, %convert_element_type3A_308, %cond3A_309 : i32
        scf.if %cond3A_310 {
          %dma_wait3A_322 = arith.constant 3 : i32
          %dma_wait3A_323 = arith.constant 0 : i32
          %dma_wait3A_324 = arith.constant 0 : i32
          %dma_wait3A_325 = tpu.memref_slice %arg6[%dma_wait3A_322, %dma_wait3A_323, %dma_wait3A_324] : memref<5x128x128xf32, #tpu.memory_space<vmem>> -> memref<1x128x128xf32, #tpu.memory_space<vmem>>
          %dma_wait3A_326 = tpu.memref_squeeze %dma_wait3A_325 : memref<1x128x128xf32, #tpu.memory_space<vmem>> -> memref<128x128xf32, #tpu.memory_space<vmem>>
          %dma_wait3A_327 = arith.constant 0 : i32
          %dma_wait3A_328 = tpu.memref_slice %arg4[%mul3A_2, %dma_wait3A_327] : memref<204800x128xf32, #tpu.memory_space<hbm>> -> memref<128x128xf32, #tpu.memory_space<hbm>>
          %dma_wait3A_329 = arith.constant 0 : i32
          %dma_wait3A_330 = tpu.memref_slice %arg4[%mul3A_2, %dma_wait3A_329] : memref<204800x128xf32, #tpu.memory_space<hbm>> -> memref<128x128xf32, #tpu.memory_space<hbm>>
          %dma_wait3A_331 = arith.constant 0 : i32
          %dma_wait3A_332 = arith.constant 0 : i32
          %dma_wait3A_333 = tpu.memref_slice %arg6[%dma_wait3A_322, %dma_wait3A_331, %dma_wait3A_332] : memref<5x128x128xf32, #tpu.memory_space<vmem>> -> memref<1x128x128xf32, #tpu.memory_space<vmem>>
          %dma_wait3A_334 = tpu.memref_squeeze %dma_wait3A_333 : memref<1x128x128xf32, #tpu.memory_space<vmem>> -> memref<128x128xf32, #tpu.memory_space<vmem>>
          tpu.wait_dma2 semaphore(%arg15 : memref<!tpu.dma_semaphore, #tpu.memory_space<semaphore_mem>>) src(%dma_wait3A_334 : memref<128x128xf32, #tpu.memory_space<vmem>>) dst(%dma_wait3A_330 : memref<128x128xf32, #tpu.memory_space<hbm>>)
        } else {
        }
        %mul3A_311 = arith.constant 128 : i32
        %mul3A_312 = arith.muli %sub3A_299, %mul3A_311 : i32
        %dma_start3A_313 = arith.constant 3 : i32
        %dma_start3A_314 = arith.constant 0 : i32
        %dma_start3A_315 = arith.constant 0 : i32
        %dma_start3A_316 = tpu.memref_slice %arg6[%dma_start3A_313, %dma_start3A_314, %dma_start3A_315] : memref<5x128x128xf32, #tpu.memory_space<vmem>> -> memref<1x128x128xf32, #tpu.memory_space<vmem>>
        %dma_start3A_317 = tpu.memref_squeeze %dma_start3A_316 : memref<1x128x128xf32, #tpu.memory_space<vmem>> -> memref<128x128xf32, #tpu.memory_space<vmem>>
        %dma_start3A_318 = tpu.memref_slice %arg5[%mul3A_312] : memref<6400xi32, #tpu.memory_space<vmem>> -> memref<128xi32, #tpu.memory_space<vmem>>
        %dma_start3A_319 = arith.constant 0 : i32
        %dma_start3A_320 = arith.constant 0 : i32
        %dma_start3A_321 = tpu.memref_slice %arg2[%dma_start3A_319, %dma_start3A_320] : memref<100000x128xf32, #tpu.memory_space<hbm>> -> memref<100000x128xf32, #tpu.memory_space<hbm>>
        tpu.enqueue_indirect_dma source(%dma_start3A_321 : memref<100000x128xf32, #tpu.memory_space<hbm>>) target(%dma_start3A_317 : memref<128x128xf32, #tpu.memory_space<vmem>>) offsets(%dma_start3A_318 : memref<128xi32, #tpu.memory_space<vmem>>) semaphore(%arg10 : memref<!tpu.dma_semaphore, #tpu.memory_space<semaphore_mem>>)
      } else {
      }
    }
    %scan3A_46 = arith.constant 10 : i32
    %dma_wait3A = arith.constant 0 : i32
    %dma_wait3A_47 = arith.constant 0 : i32
    %dma_wait3A_48 = arith.constant 0 : i32
    %dma_wait3A_49 = tpu.memref_slice %arg6[%dma_wait3A, %dma_wait3A_47, %dma_wait3A_48] : memref<5x128x128xf32, #tpu.memory_space<vmem>> -> memref<1x128x128xf32, #tpu.memory_space<vmem>>
    %dma_wait3A_50 = tpu.memref_squeeze %dma_wait3A_49 : memref<1x128x128xf32, #tpu.memory_space<vmem>> -> memref<128x128xf32, #tpu.memory_space<vmem>>
    %dma_wait3A_51 = arith.constant 0 : i32
    %dma_wait3A_52 = tpu.memref_slice %arg4[%mul3A_2, %dma_wait3A_51] : memref<204800x128xf32, #tpu.memory_space<hbm>> -> memref<128x128xf32, #tpu.memory_space<hbm>>
    %dma_wait3A_53 = arith.constant 0 : i32
    %dma_wait3A_54 = tpu.memref_slice %arg4[%mul3A_2, %dma_wait3A_53] : memref<204800x128xf32, #tpu.memory_space<hbm>> -> memref<128x128xf32, #tpu.memory_space<hbm>>
    %dma_wait3A_55 = arith.constant 0 : i32
    %dma_wait3A_56 = arith.constant 0 : i32
    %dma_wait3A_57 = tpu.memref_slice %arg6[%dma_wait3A, %dma_wait3A_55, %dma_wait3A_56] : memref<5x128x128xf32, #tpu.memory_space<vmem>> -> memref<1x128x128xf32, #tpu.memory_space<vmem>>
    %dma_wait3A_58 = tpu.memref_squeeze %dma_wait3A_57 : memref<1x128x128xf32, #tpu.memory_space<vmem>> -> memref<128x128xf32, #tpu.memory_space<vmem>>
    tpu.wait_dma2 semaphore(%arg12 : memref<!tpu.dma_semaphore, #tpu.memory_space<semaphore_mem>>) src(%dma_wait3A_58 : memref<128x128xf32, #tpu.memory_space<vmem>>) dst(%dma_wait3A_54 : memref<128x128xf32, #tpu.memory_space<hbm>>)
    %dma_wait3A_59 = arith.constant 1 : i32
    %dma_wait3A_60 = arith.constant 0 : i32
    %dma_wait3A_61 = arith.constant 0 : i32
    %dma_wait3A_62 = tpu.memref_slice %arg6[%dma_wait3A_59, %dma_wait3A_60, %dma_wait3A_61] : memref<5x128x128xf32, #tpu.memory_space<vmem>> -> memref<1x128x128xf32, #tpu.memory_space<vmem>>
    %dma_wait3A_63 = tpu.memref_squeeze %dma_wait3A_62 : memref<1x128x128xf32, #tpu.memory_space<vmem>> -> memref<128x128xf32, #tpu.memory_space<vmem>>
    %dma_wait3A_64 = arith.constant 0 : i32
    %dma_wait3A_65 = tpu.memref_slice %arg4[%mul3A_2, %dma_wait3A_64] : memref<204800x128xf32, #tpu.memory_space<hbm>> -> memref<128x128xf32, #tpu.memory_space<hbm>>
    %dma_wait3A_66 = arith.constant 0 : i32
    %dma_wait3A_67 = tpu.memref_slice %arg4[%mul3A_2, %dma_wait3A_66] : memref<204800x128xf32, #tpu.memory_space<hbm>> -> memref<128x128xf32, #tpu.memory_space<hbm>>
    %dma_wait3A_68 = arith.constant 0 : i32
    %dma_wait3A_69 = arith.constant 0 : i32
    %dma_wait3A_70 = tpu.memref_slice %arg6[%dma_wait3A_59, %dma_wait3A_68, %dma_wait3A_69] : memref<5x128x128xf32, #tpu.memory_space<vmem>> -> memref<1x128x128xf32, #tpu.memory_space<vmem>>
    %dma_wait3A_71 = tpu.memref_squeeze %dma_wait3A_70 : memref<1x128x128xf32, #tpu.memory_space<vmem>> -> memref<128x128xf32, #tpu.memory_space<vmem>>
    tpu.wait_dma2 semaphore(%arg13 : memref<!tpu.dma_semaphore, #tpu.memory_space<semaphore_mem>>) src(%dma_wait3A_71 : memref<128x128xf32, #tpu.memory_space<vmem>>) dst(%dma_wait3A_67 : memref<128x128xf32, #tpu.memory_space<hbm>>)
    %dma_wait3A_72 = arith.constant 2 : i32
    %dma_wait3A_73 = arith.constant 0 : i32
    %dma_wait3A_74 = arith.constant 0 : i32
    %dma_wait3A_75 = tpu.memref_slice %arg6[%dma_wait3A_72, %dma_wait3A_73, %dma_wait3A_74] : memref<5x128x128xf32, #tpu.memory_space<vmem>> -> memref<1x128x128xf32, #tpu.memory_space<vmem>>
    %dma_wait3A_76 = tpu.memref_squeeze %dma_wait3A_75 : memref<1x128x128xf32, #tpu.memory_space<vmem>> -> memref<128x128xf32, #tpu.memory_space<vmem>>
    %dma_wait3A_77 = arith.constant 0 : i32
    %dma_wait3A_78 = tpu.memref_slice %arg4[%mul3A_2, %dma_wait3A_77] : memref<204800x128xf32, #tpu.memory_space<hbm>> -> memref<128x128xf32, #tpu.memory_space<hbm>>
    %dma_wait3A_79 = arith.constant 0 : i32
    %dma_wait3A_80 = tpu.memref_slice %arg4[%mul3A_2, %dma_wait3A_79] : memref<204800x128xf32, #tpu.memory_space<hbm>> -> memref<128x128xf32, #tpu.memory_space<hbm>>
    %dma_wait3A_81 = arith.constant 0 : i32
    %dma_wait3A_82 = arith.constant 0 : i32
    %dma_wait3A_83 = tpu.memref_slice %arg6[%dma_wait3A_72, %dma_wait3A_81, %dma_wait3A_82] : memref<5x128x128xf32, #tpu.memory_space<vmem>> -> memref<1x128x128xf32, #tpu.memory_space<vmem>>
    %dma_wait3A_84 = tpu.memref_squeeze %dma_wait3A_83 : memref<1x128x128xf32, #tpu.memory_space<vmem>> -> memref<128x128xf32, #tpu.memory_space<vmem>>
    tpu.wait_dma2 semaphore(%arg14 : memref<!tpu.dma_semaphore, #tpu.memory_space<semaphore_mem>>) src(%dma_wait3A_84 : memref<128x128xf32, #tpu.memory_space<vmem>>) dst(%dma_wait3A_80 : memref<128x128xf32, #tpu.memory_space<hbm>>)
    %dma_wait3A_85 = arith.constant 3 : i32
    %dma_wait3A_86 = arith.constant 0 : i32
    %dma_wait3A_87 = arith.constant 0 : i32
    %dma_wait3A_88 = tpu.memref_slice %arg6[%dma_wait3A_85, %dma_wait3A_86, %dma_wait3A_87] : memref<5x128x128xf32, #tpu.memory_space<vmem>> -> memref<1x128x128xf32, #tpu.memory_space<vmem>>
    %dma_wait3A_89 = tpu.memref_squeeze %dma_wait3A_88 : memref<1x128x128xf32, #tpu.memory_space<vmem>> -> memref<128x128xf32, #tpu.memory_space<vmem>>
    %dma_wait3A_90 = arith.constant 0 : i32
    %dma_wait3A_91 = tpu.memref_slice %arg4[%mul3A_2, %dma_wait3A_90] : memref<204800x128xf32, #tpu.memory_space<hbm>> -> memref<128x128xf32, #tpu.memory_space<hbm>>
    %dma_wait3A_92 = arith.constant 0 : i32
    %dma_wait3A_93 = tpu.memref_slice %arg4[%mul3A_2, %dma_wait3A_92] : memref<204800x128xf32, #tpu.memory_space<hbm>> -> memref<128x128xf32, #tpu.memory_space<hbm>>
    %dma_wait3A_94 = arith.constant 0 : i32
    %dma_wait3A_95 = arith.constant 0 : i32
    %dma_wait3A_96 = tpu.memref_slice %arg6[%dma_wait3A_85, %dma_wait3A_94, %dma_wait3A_95] : memref<5x128x128xf32, #tpu.memory_space<vmem>> -> memref<1x128x128xf32, #tpu.memory_space<vmem>>
    %dma_wait3A_97 = tpu.memref_squeeze %dma_wait3A_96 : memref<1x128x128xf32, #tpu.memory_space<vmem>> -> memref<128x128xf32, #tpu.memory_space<vmem>>
    tpu.wait_dma2 semaphore(%arg15 : memref<!tpu.dma_semaphore, #tpu.memory_space<semaphore_mem>>) src(%dma_wait3A_97 : memref<128x128xf32, #tpu.memory_space<vmem>>) dst(%dma_wait3A_93 : memref<128x128xf32, #tpu.memory_space<hbm>>)
    %dma_wait3A_98 = arith.constant 4 : i32
    %dma_wait3A_99 = arith.constant 0 : i32
    %dma_wait3A_100 = arith.constant 0 : i32
    %dma_wait3A_101 = tpu.memref_slice %arg6[%dma_wait3A_98, %dma_wait3A_99, %dma_wait3A_100] : memref<5x128x128xf32, #tpu.memory_space<vmem>> -> memref<1x128x128xf32, #tpu.memory_space<vmem>>
    %dma_wait3A_102 = tpu.memref_squeeze %dma_wait3A_101 : memref<1x128x128xf32, #tpu.memory_space<vmem>> -> memref<128x128xf32, #tpu.memory_space<vmem>>
    %dma_wait3A_103 = arith.constant 0 : i32
    %dma_wait3A_104 = tpu.memref_slice %arg4[%mul3A_2, %dma_wait3A_103] : memref<204800x128xf32, #tpu.memory_space<hbm>> -> memref<128x128xf32, #tpu.memory_space<hbm>>
    %dma_wait3A_105 = arith.constant 0 : i32
    %dma_wait3A_106 = tpu.memref_slice %arg4[%mul3A_2, %dma_wait3A_105] : memref<204800x128xf32, #tpu.memory_space<hbm>> -> memref<128x128xf32, #tpu.memory_space<hbm>>
    %dma_wait3A_107 = arith.constant 0 : i32
    %dma_wait3A_108 = arith.constant 0 : i32
    %dma_wait3A_109 = tpu.memref_slice %arg6[%dma_wait3A_98, %dma_wait3A_107, %dma_wait3A_108] : memref<5x128x128xf32, #tpu.memory_space<vmem>> -> memref<1x128x128xf32, #tpu.memory_space<vmem>>
    %dma_wait3A_110 = tpu.memref_squeeze %dma_wait3A_109 : memref<1x128x128xf32, #tpu.memory_space<vmem>> -> memref<128x128xf32, #tpu.memory_space<vmem>>
    tpu.wait_dma2 semaphore(%arg16 : memref<!tpu.dma_semaphore, #tpu.memory_space<semaphore_mem>>) src(%dma_wait3A_110 : memref<128x128xf32, #tpu.memory_space<vmem>>) dst(%dma_wait3A_106 : memref<128x128xf32, #tpu.memory_space<hbm>>)
    return
  }
}

module attributes {stable_mosaic.version = 14 : i64} {
  func.func @_merge_body(%arg0: i32, %arg1: memref<5000x128xf32, #tpu.memory_space<vmem>>, %arg2: memref<5000x16xf32, #tpu.memory_space<vmem>>, %arg3: memref<16x128xf32, #tpu.memory_space<vmem>>, %arg4: memref<5000x128xf32, #tpu.memory_space<vmem>>) attributes {dimension_semantics = [#tpu.dimension_semantics<arbitrary>], iteration_bounds = array<i64: 20>, scalar_prefetch = 0 : i64, scratch_operands = 0 : i64, tpu.core_type = #tpu.core_type<tc>, window_params = [{transform_indices = @transform_0, window_bounds = array<i64: 5000, 128>}, {transform_indices = @transform_1, window_bounds = array<i64: 5000, 16>}, {pipeline_mode = #tpu.pipeline_mode<synchronous>, transform_indices = @transform_2, window_bounds = array<i64: 16, 128>}, {transform_indices = @transform_3, window_bounds = array<i64: 5000, 128>}]} {
    %get3A = arith.constant 0 : index
    %get3A_0 = arith.constant 0 : index
    %get3A_1 = vector.load %arg1[%get3A, %get3A_0] : memref<5000x128xf32, #tpu.memory_space<vmem>>, vector<5000x128xf32>
    %get3A_2 = arith.constant 0 : index
    %get3A_3 = arith.constant 0 : index
    %get3A_4 = vector.load %arg2[%get3A_2, %get3A_3] : memref<5000x16xf32, #tpu.memory_space<vmem>>, vector<5000x16xf32>
    %get3A_5 = arith.constant 0 : index
    %get3A_6 = arith.constant 0 : index
    %get3A_7 = vector.load %arg3[%get3A_5, %get3A_6] : memref<16x128xf32, #tpu.memory_space<vmem>>, vector<16x128xf32>
    %dot_general3A = arith.constant dense<0.000000e+00> : vector<5000x128xf32>
    %dot_general3A_8 = tpu.matmul %get3A_4, %get3A_7, %dot_general3A {dimension_numbers = #tpu.dot_dimension_numbers<[1], [0], [0], [1], [0, 0, 1, 1], [], []>, transpose_lhs_hint = false} : vector<5000x16xf32>, vector<16x128xf32>, vector<5000x128xf32> -> vector<5000x128xf32>
    %mul3A = arith.constant 2.000000e+00 : f32
    %mul3A_9 = vector.broadcast %mul3A : f32 to vector<5000x128xf32>
    %mul3A_10 = arith.mulf %mul3A_9, %dot_general3A_8 : vector<5000x128xf32>
    %add3A = arith.addf %get3A_1, %mul3A_10 : vector<5000x128xf32>
    %swap3A = arith.constant 0 : index
    %swap3A_11 = arith.constant 0 : index
    %swap3A_12 = vector.load %arg4[%swap3A, %swap3A_11] : memref<5000x128xf32, #tpu.memory_space<vmem>>, vector<5000x128xf32>
    tpu.vector_store %arg4[%swap3A, %swap3A_11], %add3A {strides = array<i32>} : memref<5000x128xf32, #tpu.memory_space<vmem>>, vector<5000x128xf32>,
    return
  }
  func.func @transform_0(%arg0: i32) -> (i32, i32) {
    %c0_i32 = arith.constant 0 : i32
    %c0_i32_0 = arith.constant 0 : i32
    return %arg0, %c0_i32 : i32, i32
  }
  func.func @transform_1(%arg0: i32) -> (i32, i32) {
    %c0_i32 = arith.constant 0 : i32
    %c0_i32_0 = arith.constant 0 : i32
    return %arg0, %c0_i32 : i32, i32
  }
  func.func @transform_2(%arg0: i32) -> (i32, i32) {
    %c0_i32 = arith.constant 0 : i32
    %c0_i32_0 = arith.constant 0 : i32
    %c0_i32_1 = arith.constant 0 : i32
    return %c0_i32, %c0_i32_0 : i32, i32
  }
  func.func @transform_3(%arg0: i32) -> (i32, i32) {
    %c0_i32 = arith.constant 0 : i32
    %c0_i32_0 = arith.constant 0 : i32
    return %arg0, %c0_i32 : i32, i32
  }
}

</mosaic_0001>

<sc_bundles>
// kernel: kernel.4.cloned.1.call-start
scs
__scs_entry_jumppad:
0x0: {  	(pc) =	sbr.rel $0x88, $3  }
0x1: {  	(tag) =	ssettag $0x0;
	lr =	simm.s32 $0x1  }
0x2: {  	[smem:$0x3F9D] =	sst lr;
	_ =	strace $0xD0000000  }
0x3: {  	_ = 	snop  }
0x4: {  	_ = 	snop  }
0x5: {  	_ = 	snop  }
0x6: {  	_ = 	snop  }
0x7: {  	_ = 	snop  }
__scs_overlays_trampoline_lowered:
0x8: {  	[smem:$0x3FAC] =	sst s0  }
0x9: {  	[smem:$0x3FAD] =	sst s1  }
0xa: {  	[smem:$0x3FAE] =	sst s2  }
0xb: {  	[smem:$0x3FAF] =	sst s3  }
0xc: {  	[smem:$0x3FB0] =	sst s4  }
0xd: {  	[smem:$0x3FB1] =	sst s5  }
0xe: {  	[smem:$0x3FB2] =	sst s6  }
0xf: {  	[smem:$0x3FB3] =	sst s7  }
0x10: {  	[smem:$0x3FB4] =	sst s8  }
0x11: {  	[smem:$0x3FB5] =	sst s9;
	s0 =	simm.s32 @!p0 $0x0  }
0x12: {  	s1 =	sld [smem:$0x3F9B];
	s0 =	simm.s32 @p0 $0x1  }
0x13: {  	[smem:$0x3FB6] =	sst s0;
	s0 =	simm.s32 @!p1 $0x0  }
0x14: {  	s2 =	sld [smem:$0x3F9A];
	s0 =	simm.s32 @p1 $0x1  }
0x15: {  	[smem:$0x3FB7] =	sst s0;
	s0 =	simm.s32 @!p2 $0x0  }
0x16: {  	s3 =	sld [smem:$0x3FDB];
	s0 =	simm.s32 @p2 $0x1  }
0x17: {  	s4 =	simm.s32 $0x1BF5;
	[smem:$0x3FB9] =	sst s0  }
0x18: {  	s0 =	sld [smem:$0x3F9C];
	_ =	swait.ge [sflag:s4], $0x0  }
0x19: {  	s7 =	sld [smem:$0x3F9D]  }
0x1a: {  	s8 =	sadd.s32 $0xFFFFE003, lr  }
0x1b: {  	s9 =	sadd.s32 $0xFFFFFEF7, lr;
	s5 =	simm.s32 $0xFFFFFFFF;
	p2 =	slt.u32 s8, $0xFFFFF086  }
0x1c: {  	p1 =	slt.u32 s9, $0xF7A;
	s5 =	simm.s32 @!p2 $0x0  }
0x1d: {  	s5 =	simm.s32 @p1 $0x1;
	p0 =	seq.s32 s7, s2  }
0x1e: {  	s7 =	smul.u32 @!p0 $0xF7A, s2;
	p2 =	seq.s32 @!p0 s5, $0x0  }
0x1f: {  	s9 =	smul.u32 $0xF7A, s1;
	s8 =	simm.s32 @!p0 $0x1BF5;
	p2 =	por !p2, p0  }
0x20: {  	[sflag:s8] =	ssyncset.s32 @!p0 $0xFFFFF086;
	s6 =	sadd.s32 @!p0 s3, s7;
	s7 =	simm.s32 @!p0 $0x108  }
0x21: {  	s3 =	sadd.s32 s3, s9;
	s6 =	sadd.s32 @!p0 $0x88, s6;
	s7 =	simm.s32 @p2 $0x1082  }
0x22: {  	[simem:s7], [sflag:s8] =	dma.local @!p0 [hbm:s6], $0xF7A  }
0x23: {  	s9 =	sor.u32 $0xD0000000, s2;
	s6 =	simm.s32 $0x108;
	_ =	swait.ge @!p0 [sflag:s8], $0x0  }
0x24: {  	s3 =	sadd.s32 $0x88, s3;
	s6 =	simm.s32 @!p1 $0x1082;
	[sflag:s4] =	ssyncset.s32 $0xFFFFF086  }
0x25: {  	[simem:s6], [sflag:s4] =	dma.local [hbm:s3], $0xF7A  }
0x26: {  	[smem:$0x3F9D] =	sst s1;
	(tag) =	ssettag s2;
	_ =	strace s9  }
0x27: {  	s1 =	sld [smem:$0x3FAD]  }
0x28: {  	s2 =	sld [smem:$0x3FAE]  }
0x29: {  	s4 =	sld [smem:$0x3FB0]  }
0x2a: {  	p0 =	seq.s32 s5, $0x0;
	s5 =	sld [smem:$0x3FB1]  }
0x2b: {  	s6 =	sld [smem:$0x3FB2]  }
0x2c: {  	s7 =	sld [smem:$0x3FB3]  }
0x2d: {  	s3 =	simm.s32 $0x108;
	s8 =	sld [smem:$0x3FB4]  }
0x2e: {  	s3 =	simm.s32 @!p0 $0x1082;
	s9 =	sld [smem:$0x3FB5]  }
0x2f: {  	lr =	sadd.s32 s0, s3;
	s0 =	sld [smem:$0x3FAC]  }
0x30: {  	s3 =	sld [smem:$0x3FAF]  }
0x31: {  	[smem:$0x3FB8] =	sst s10  }
0x32: {  	s10 =	sld [smem:$0x3FB6];
	_ =	sdelay $0x3  }
0x33: {  	p0 =	seq.s32 s10, $0x1;
	s10 =	sld [smem:$0x3FB8];
	_ =	sdelay $0x3  }
0x34: {  	[smem:$0x3FB8] =	sst s10  }
0x35: {  	s10 =	sld [smem:$0x3FB7];
	_ =	sdelay $0x3  }
0x36: {  	p1 =	seq.s32 s10, $0x1;
	s10 =	sld [smem:$0x3FB8];
	_ =	sdelay $0x3  }
0x37: {  	[smem:$0x3FB8] =	sst s10  }
0x38: {  	s10 =	sld [smem:$0x3FB9]  }
0x39: {  	_ = 	snop;
	(pc) =	sbr.ind lr, $3  }
0x3a: {  	_ = 	snop  }
0x3b: {  	_ = 	snop  }
0x3c: {  	p2 =	seq.s32 s10, $0x1;
	s10 =	sld [smem:$0x3FB8]  }
0x3d: {  	_ =	shalt  }
0x3e: {  	_ =	shalt  }
0x3f: {  	_ =	shalt  }
0x40: {  	_ =	shalt  }
0x41: {  	_ =	shalt  }
0x42: {  	_ =	shalt  }
0x43: {  	_ =	shalt  }
0x44: {  	_ =	shalt  }
0x45: {  	_ =	shalt  }
0x46: {  	_ =	shalt  }
0x47: {  	_ =	shalt  }
0x48: {  	_ =	shalt  }
0x49: {  	_ =	shalt  }
0x4a: {  	_ =	shalt  }
0x4b: {  	_ =	shalt  }
0x4c: {  	_ =	shalt  }
0x4d: {  	_ =	shalt  }
0x4e: {  	_ =	shalt  }
0x4f: {  	_ =	shalt  }
0x50: {  	_ =	shalt  }
0x51: {  	_ =	shalt  }
0x52: {  	_ =	shalt  }
0x53: {  	_ =	shalt  }
0x54: {  	_ =	shalt  }
0x55: {  	_ =	shalt  }
0x56: {  	_ =	shalt  }
0x57: {  	_ =	shalt  }
0x58: {  	_ =	shalt  }
0x59: {  	_ =	shalt  }
0x5a: {  	_ =	shalt  }
0x5b: {  	_ =	shalt  }
0x5c: {  	_ =	shalt  }
0x5d: {  	_ =	shalt  }
0x5e: {  	_ =	shalt  }
0x5f: {  	_ =	shalt  }
0x60: {  	_ =	shalt  }
0x61: {  	_ =	shalt  }
0x62: {  	_ =	shalt  }
0x63: {  	_ =	shalt  }
0x64: {  	_ =	shalt  }
0x65: {  	_ =	shalt  }
0x66: {  	_ =	shalt  }
0x67: {  	_ =	shalt  }
0x68: {  	_ =	shalt  }
0x69: {  	_ =	shalt  }
0x6a: {  	_ =	shalt  }
0x6b: {  	_ =	shalt  }
0x6c: {  	_ =	shalt  }
0x6d: {  	_ =	shalt  }
0x6e: {  	_ =	shalt  }
0x6f: {  	_ =	shalt  }
0x70: {  	_ =	shalt  }
0x71: {  	_ =	shalt  }
0x72: {  	_ =	shalt  }
0x73: {  	_ =	shalt  }
0x74: {  	_ =	shalt  }
0x75: {  	_ =	shalt  }
0x76: {  	_ =	shalt  }
0x77: {  	_ =	shalt  }
0x78: {  	_ =	shalt  }
0x79: {  	_ =	shalt  }
0x7a: {  	_ =	shalt  }
0x7b: {  	_ =	shalt  }
0x7c: {  	_ =	shalt  }
0x7d: {  	_ =	shalt  }
0x7e: {  	_ =	shalt  }
0x7f: {  	_ =	shalt  }
0x80: {  	_ =	shalt  }
0x81: {  	_ =	shalt  }
0x82: {  	_ =	shalt  }
0x83: {  	_ =	shalt  }
0x84: {  	_ =	shalt  }
0x85: {  	_ =	shalt  }
0x86: {  	_ =	shalt  }
0x87: {  	_ =	shalt  }
.Lfunc_end0:
.L_simem_size_0:
called_computation_lowered:
.L_overlay_start_0:
0x88: {  	s2 =	sld [smem:$0x3FD9]  }
0x89: {  	s3 =	sld [smem:$0x3FFE];
	_ =	sdelay $0x1  }
0x8a: {  	s1 =	srdreg.scid  }
0x8b: {  	s0 =	sand.u32 $0x1, s1  }
0x8c: {  	s17 =	sshll.u32 s0, $0xA;
	s2 =	sadd.s32 s3, s2  }
0x8d: {  	s2 =	sadd.s32 s2, s17  }
0x8e: {  	[smem:$0x3FC4] =	sst s2  }
0x8f: {  	_ = 	snop  }
0x90: {  	s2 =	sld [smem:$0x3FD0];
	(tm) =	ssettm $0x1  }
0x91: {  	s18 =	sld [smem:$0x3FFB];
	_ =	sdelay $0x3  }
0x92: {  	_ =	strace s18  }
0x93: {  	s3 =	sld [smem:$0x3FFC];
	_ =	sdelay $0x3  }
0x94: {  	_ =	strace s3  }
0x95: {  	s3 =	sld [smem:$0x3FFD];
	_ =	sdelay $0x3  }
0x96: {  	_ =	strace s3  }
0x97: {  	_ =	strace $0x8FFFFFFF  }
0x98: {  	s19 =	sld [smem:$0x3FDB];
	_ =	sdelay $0x1  }
0x99: {  	s4 =	simm.s32 $_scs_section_size  }
0x9a: {  	s5 =	simm.s32 $_size__tile_overlayer_lowered;
	s6 =	simm.s32 $_tile_overlayer_lowered  }
0x9b: {  	s22 =	simm.s32 $0x1BFF;
	s21 =	sshll.u32 s6, $0x1;
	s3 =	sadd.s32 s4, s19  }
0x9c: {  	s7 =	simm.s32 $0x0;
	s20 =	sshll.u32 s5, $0x1;
	s5 =	sadd.s32 s21, s3  }
0x9d: {  	[timem:s7], [sflag:s22] =	dma.local [hbm:s5], s20  }
0x9e: {  	_ =	swait.ge [sflag:s22], s20  }
0x9f: {  	s4 =	ssub.s32 $0x0, s20;
	[sflag:s22] =	ssyncset.done $0x0  }
0xa0: {  	[sflag:s22] =	ssyncadd.s32 s4;
	_ =	sdelay $0x1  }
0xa1: {  	s23 =	simm.s32 $0x1B8B  }
0xa2: {  	_ =	swait.ge [sflag:s23], $0x1  }
0xa3: {  	[sflag:s23] =	ssyncset.done $0x0  }
0xa4: {  	s25 =	simm.s32 $0x1B8E;
	s24 =	sld [smem:$0x3FFE];
	[sflag:s23] =	ssyncadd.s32 $0xFFFFFFFF  }
0xa5: {  	s26 =	simm.s32 $execute0_lowered;
	[smem:$0x3FD2] =	sst s25  }
0xa6: {  	s5 =	sshll.u32 s26, $0x1;
	_ =	strace $0x80000046;
	[dreg:$0x1] =	wrdreg $0xFFFFFFFF  }
0xa7: {  	s28 =	simm.s32 $_size_execute0_lowered;
	s3 =	sadd.s32 s3, s5;
	[dreg:$0x0] =	wrdreg $0x0  }
0xa8: {  	s5 =	sshll.u32 s28, $0x1;
	[dreg:$0x2] =	wrdreg s3  }
0xa9: {  	[dreg:$0x3] =	wrdreg s5  }
0xaa: {  	[dreg:$0x4] =	wrdreg $0xC0  }
0xab: {  	_ =	task [dreg:s7], $0x5FFFF  }
0xac: {  	[dreg:$0x1] =	wrdreg $0xFFFFFFFF  }
0xad: {  	[dreg:$0x0] =	wrdreg $0x60  }
0xae: {  	[dreg:$0x2] =	wrdreg s24  }
0xaf: {  	[dreg:$0x3] =	wrdreg s2  }
0xb0: {  	[dreg:$0x4] =	wrdreg $0x9  }
0xb1: {  	_ =	task.clear_ibuf [dreg:s7], $0x5FFFF;
	_ =	strace $0x90000046  }
0xb2: {  	s29 =	simm.s32 $0x9;
	_ =	strace $0x80000048  }
0xb3: {  	_ =	swait.ge [sflag:s29], $0x1  }
0xb4: {  	[sflag:s29] =	ssyncadd.s32 $0xFFFFFFFF  }
0xb5: {  	_ =	strace $0x90000048  }
0xb6: {  	_ =	sfence  }
0xb7: {  	s30 =	sld [smem:$0x0];
	_ =	sdelay $0x2  }
0xb8: {  	s31 =	sshll.u32 s1, $0xD;
	s1 =	sshrl.u32 s1, $0x2  }
0xb9: {  	s3 =	sand.u32 $0x4000, s31;
	s1 =	sadd.s32 s1, s30  }
0xba: {  	s0 =	sor.u32 s3, s0;
	s1 =	sshll.u32 s1, $0x11  }
0xbb: {  	s0 =	sor.u32 s1, s0  }
0xbc: {  	s0 =	sadd.s32 $0x8F2B, s0  }
0xbd: {  	[sflag:s0] =	ssyncadd.remote.s32 $0x1  }
0xbe: {  	_ =	sfence.sel $0xFFFF  }
0xbf: {  	[dreg:$0x0] =	wrdreg $0xFFFFFFFF;
	(pc) =	sbr.abs _section_cstart, $3  }
0xc0: {  	[dreg:$0x1] =	wrdreg $0xFFFFFFFF  }
0xc1: {  	_ =	task.clear_ibuf [dreg:s7], $0x2FFFF;
	_ =	strace $0x9FFFFFFF  }
0xc2: {  	(tm) =	ssettm $0x7FFFFFFF  }
0xc3: {  	_ =	shalt  }
tec
execute0_lowered:
.L_overlay_start_1:
0x0: {  	(tag) =	ssettag $0x1  }
0x1: {  	s0 =	rddreg [dreg:$0x0]  }
0x2: {  	s11 =	rddreg [dreg:$0x1]  }
0x3: {  	s1 =	srdreg.scid;
	s2 =	stileid.u32  }
0x4: {  	s3 =	simm.s32 $0x0;
	s12 =	simm.s32 $0xB;
	s13 =	simm.s32 $0x1900  }
0x5: {  	s14 =	simm.s32 $0x5900;
	s18 =	simm.s32 $0xD900;
	s19 =	simm.s32 $0x1  }
0x6: {  	s20 =	simm.s32 $0x11900;
	s21 =	simm.s32 $0x2;
	s22 =	simm.s32 $0x4  }
0x7: {  	s28 =	simm.s32 $0x9;
	s29 =	simm.s32 $0xA;
	s8 =	smul.u32 $0x32000, s2  }
0x8: {  	s30 =	simm.s32 $0x0;
	s5 =	sshrl.u32 s2, $0x2;
	s9 =	smul.u32 $0x190000, s2  }
0x9: {  	s1 =	sand.u32 $0x1, s1;
	s4 =	sshll.u32 s2, $0x1;
	s5 =	smul.u32 $0xC800, s5  }
0xa: {  	[smem:$0x7FF] =	sst s3;
	s4 =	sor.u32 s1, s4;
	s10 =	smul.u32 $0xC8000, s1  }
0xb: {  	_ =	strace $0x80000047;
	s23 =	ssub.s32 $0x2, s1;
	s25 =	smul.u32 $0x19000, s1  }
0xc: {  	s6 =	sshll.u32 s4, $0x7;
	s7 =	smul.u32 $0x19000, s4;
	s4 =	sadd.s32 $0x6A00, s0  }
0xd: {  	s24 =	sshrl.u32 s23, $0x1;
	s6 =	sand.u32 $0x380, s6;
	s9 =	sadd.s32 s10, s9  }
0xe: {  	s8 =	sadd.s32 s25, s8;
	s10 =	simm.s32 $0x80;
	s25 =	simm.s32 $0x7  }
.Ltmp0:
0xf: {  	s5 =	sor.u32 s5, s6;
	s6 =	ssub.s32 s23, s24;
	(pc) =	sbr.rel .LBB2_1-.Ltmp0, $4  }
0x10: {  	s26 =	sadd.s32 s11, s7;
	s31 =	sadd.s32 $0x10000, s9;
	s5 =	sshrl.u32 s5, $0x3  }
0x11: {  	s23 =	simm.s32 $0x5;
	s24 =	simm.s32 $0x6;
	s0 =	sadd.s32 s5, s0  }
0x12: {  	s6 =	smax.u32 s6, $0x1;
	s7 =	sadd.s32 $0x17800, s26;
	s0 =	sadd.s32 $0x600, s0  }
0x13: {  	s9 =	sshrl.u32 s31, $0x3;
	s26 =	simm.s32 $0x8;
	[dreg:$0x3] =	wrdreg s0  }
.LBB2_4:
0x14: {  	_ =	swait.ge [sflag:s24], $0x4000  }
0x15: {  	[sflag:s24] =	ssyncset.done $0x0  }
0x16: {  	[sflag:s24] =	ssyncadd.s32 $0xFFFFC000  }
0x17: {  	_ =	swait.ge [sflag:s25], $0x4000  }
0x18: {  	[sflag:s25] =	ssyncset.done $0x0  }
0x19: {  	[sflag:s25] =	ssyncadd.s32 $0xFFFFC000  }
0x1a: {  	_ =	swait.ge [sflag:s26], $0x4000  }
0x1b: {  	[sflag:s26] =	ssyncset.done $0x0  }
0x1c: {  	s30 =	sadd.s32 $0x1, s30;
	[sflag:s26] =	ssyncadd.s32 $0xFFFFC000  }
0x1d: {  	p0 =	sne.s32 s30, s6;
	_ =	swait.ge [sflag:s28], $0x4000  }
.Ltmp1:
0x1e: {  	[sflag:s28] =	ssyncset.done $0x0;
	(pc) =	sbr.rel @!p0 .LBB2_5-.Ltmp1, $4  }
0x1f: {  	[sflag:s28] =	ssyncadd.s32 $0xFFFFC000  }
0x20: {  	_ =	swait.ge [sflag:s29], $0x4000  }
0x21: {  	[sflag:s29] =	ssyncset.done $0x0  }
0x22: {  	[sflag:s29] =	ssyncadd.s32 $0xFFFFC000  }
.LBB2_1:
0x23: {  	s0 =	rddreg [dreg:$0x3];
	s1 =	simm.s32 $0x400  }
0x24: {  	[tilespmem:s3], [sflag:$0xB] =	stream.strided.gather [hbm4b:s0+s10], $0x1900, s1, s10, $0x38;
	[tilespmem:$0x15900] =	vst v63  }
0x25: {  	_ =	swait.ge [sflag:s12], $0x1900  }
0x26: {  	[sflag:s12] =	ssyncset.done $0x0  }
0x27: {  	[sflag:s12] =	ssyncadd.s32 $0xFFFFE700  }
0x28: {  	[tilespmem:s13], [sflag:$0x1] =	stream.indirect.gather [hbm4b:s4+s10], $0x80, s3, s10, $0xb8;
	[tilespmem:$0x15900] =	vst v63  }
0x29: {  	_ = 	snop  }
0x2a: {  	[tilespmem:s14], [sflag:$0x2] =	stream.indirect.gather [hbm4b:s4+s10], $0x80, s10, s10, $0xb8;
	[tilespmem:$0x15900] =	vst v63  }
0x2b: {  	s15 =	simm.s32 $0x100;
	s16 =	simm.s32 $0x9900  }
0x2c: {  	[tilespmem:s16], [sflag:$0x3] =	stream.indirect.gather [hbm4b:s4+s10], $0x80, s15, s10, $0xb8;
	[tilespmem:$0x15900] =	vst v63  }
0x2d: {  	s17 =	simm.s32 $0x180;
	s0 =	simm.s32 $0x0;
	s31 =	rddreg [dreg:$0x1]  }
0x2e: {  	[tilespmem:s18], [sflag:$0x4] =	stream.indirect.gather [hbm4b:s4+s10], $0x80, s17, s10, $0xb8;
	[tilespmem:$0x15900] =	vst v63  }
.LBB2_2:
0x2f: {  	_ =	swait.ge [sflag:s19], $0x4000  }
0x30: {  	p0 =	seq.s32 s0, $0x0;
	[sflag:s19] =	ssyncset.done $0x0  }
0x31: {  	s2 =	sadd.s32 s31, s8;
	s11 =	simm.s32 @!p0 $0xA;
	[sflag:s19] =	ssyncadd.s32 $0xFFFFC000  }
0x32: {  	[hbm4b:s2+s3] =	stream.linear.scatter [tilespmem:s13], [sflag:$0x6], $0x4000, $0x38;
	[tilespmem:$0x15900] =	vst v63  }
0x33: {  	_ =	swait.ge @!p0 [sflag:s11], $0x4000  }
0x34: {  	s1 =	sshra.s32 s0, $0x2;
	[sflag:s11] =	ssyncset.done @!p0 $0x0  }
0x35: {  	s15 =	sadd.s32 $0x200, s1;
	[sflag:s11] =	ssyncadd.s32 @!p0 $0xFFFFC000  }
0x36: {  	[tilespmem:s20], [sflag:$0x5] =	stream.indirect.gather [hbm4b:s4+s10], $0x80, s15, s10, $0xb8;
	[tilespmem:$0x15900] =	vst v63  }
0x37: {  	_ =	swait.ge [sflag:s21], $0x4000  }
0x38: {  	p0 =	seq.s32 s0, $0x5A00;
	[sflag:s21] =	ssyncset.done $0x0  }
0x39: {  	s16 =	sadd.s32 $0x800, s2;
	s11 =	simm.s32 @p0 $0x3;
	[sflag:s21] =	ssyncadd.s32 $0xFFFFC000  }
0x3a: {  	[hbm4b:s16+s3] =	stream.linear.scatter [tilespmem:s14], [sflag:$0x7], $0x4000, $0x38;
	[tilespmem:$0x15900] =	vst v63  }
0x3b: {  	_ =	swait.ge @p0 [sflag:s11], $0x4000  }
0x3c: {  	[sflag:s11] =	ssyncset.done @p0 $0x0  }
0x3d: {  	s15 =	simm.s32 @p0 $0x9900;
	[sflag:s11] =	ssyncadd.s32 @p0 $0xFFFFC000;
	s11 =	simm.s32 @p0 $0x0  }
0x3e: {  	[hbm4b:s7+s11] =	stream.linear.scatter @p0 [tilespmem:s15], [sflag:$0x8], $0x4000, $0x38;
	[tilespmem:$0x15900] =	vst v63  }
0x3f: {  	s11 =	simm.s32 @!p0 $0x6  }
0x40: {  	_ =	swait.ge @!p0 [sflag:s11], $0x4000  }
0x41: {  	[sflag:s11] =	ssyncset.done @!p0 $0x0  }
0x42: {  	[sflag:s11] =	ssyncadd.s32 @!p0 $0xFFFFC000;
	s11 =	sshra.s32 @!p0 s0, $0x2  }
0x43: {  	s17 =	simm.s32 @!p0 $0x1900;
	s16 =	simm.s32 @!p0 $0x80;
	s15 =	sadd.s32 @!p0 $0x280, s11  }
0x44: {  	[tilespmem:s17], [sflag:$0x1] =	stream.indirect.gather @!p0 [hbm4b:s4+s16], $0x80, s15, s16, $0xb8;
	[tilespmem:$0x15900] =	vst v63  }
0x45: {  	s15 =	simm.s32 @!p0 $0x3  }
0x46: {  	_ =	swait.ge @!p0 [sflag:s15], $0x4000  }
0x47: {  	[sflag:s15] =	ssyncset.done @!p0 $0x0  }
0x48: {  	[sflag:s15] =	ssyncadd.s32 @!p0 $0xFFFFC000;
	s15 =	sadd.s32 @!p0 s31, s8  }
0x49: {  	s5 =	simm.s32 @!p0 $0x9900;
	s17 =	simm.s32 @!p0 $0x0;
	s15 =	sadd.s32 @!p0 $0x1000, s15  }
0x4a: {  	[hbm4b:s15+s17] =	stream.linear.scatter @!p0 [tilespmem:s5], [sflag:$0x8], $0x4000, $0x38;
	[tilespmem:$0x15900] =	vst v63  }
0x4b: {  	s15 =	simm.s32 @!p0 $0x7  }
0x4c: {  	_ =	swait.ge @!p0 [sflag:s15], $0x4000  }
0x4d: {  	[sflag:s15] =	ssyncset.done @!p0 $0x0  }
0x4e: {  	s17 =	simm.s32 @!p0 $0x5900;
	[sflag:s15] =	ssyncadd.s32 @!p0 $0xFFFFC000;
	s15 =	sadd.s32 @!p0 $0x300, s11  }
0x4f: {  	[tilespmem:s17], [sflag:$0x2] =	stream.indirect.gather @!p0 [hbm4b:s4+s16], $0x80, s15, s16, $0xb8;
	[tilespmem:$0x15900] =	vst v63  }
0x50: {  	_ =	swait.ge [sflag:s22], $0x4000  }
0x51: {  	[sflag:s22] =	ssyncset.done $0x0  }
0x52: {  	s2 =	sadd.s32 $0x1800, s2;
	[sflag:s22] =	ssyncadd.s32 $0xFFFFC000  }
0x53: {  	[hbm4b:s2+s3] =	stream.linear.scatter [tilespmem:s18], [sflag:$0x9], $0x4000, $0x38;
	[tilespmem:$0x15900] =	vst v63  }
0x54: {  	s2 =	simm.s32 @!p0 $0x8  }
0x55: {  	_ =	swait.ge @!p0 [sflag:s2], $0x4000  }
0x56: {  	[sflag:s2] =	ssyncset.done @!p0 $0x0  }
0x57: {  	[sflag:s2] =	ssyncadd.s32 @!p0 $0xFFFFC000;
	s2 =	sadd.s32 @!p0 $0x380, s11  }
0x58: {  	[tilespmem:s5], [sflag:$0x3] =	stream.indirect.gather @!p0 [hbm4b:s4+s16], $0x80, s2, s16, $0xb8;
	[tilespmem:$0x15900] =	vst v63  }
.Ltmp2:
0x59: {  	_ = 	snop;
	(pc) =	sbr.rel @p0 .LBB2_4-.Ltmp2, $4  }
0x5a: {  	_ =	swait.ge [sflag:s23], $0x4000  }
0x5b: {  	[sflag:s23] =	ssyncset.done $0x0  }
0x5c: {  	s17 =	sadd.s32 s31, s9;
	[sflag:s23] =	ssyncadd.s32 $0xFFFFC000  }
0x5d: {  	[hbm4b:s17+s3] =	stream.linear.scatter [tilespmem:s20], [sflag:$0xA], $0x4000, $0x38;
	[tilespmem:$0x15900] =	vst v63  }
.Ltmp3:
0x5e: {  	(pc) =	sbr.rel .LBB2_2-.Ltmp3, $4  }
0x5f: {  	_ =	swait.ge [sflag:s28], $0x4000  }
0x60: {  	s1 =	sadd.s32 $0x400, s1;
	[sflag:s28] =	ssyncset.done $0x0  }
0x61: {  	s0 =	sadd.s32 $0xA00, s0;
	s31 =	sadd.s32 $0x2800, s31;
	[sflag:s28] =	ssyncadd.s32 $0xFFFFC000  }
0x62: {  	[tilespmem:s18], [sflag:$0x4] =	stream.indirect.gather [hbm4b:s4+s10], $0x80, s1, s10, $0xb8;
	[tilespmem:$0x15900] =	vst v63  }
.LBB2_5:
0x63: {  	_ =	sfence.sel $0x180000  }
0x64: {  	[bflag:$0x0] =	sbarrier.arrive $0xFFFF  }
0x65: {  	_ =	strace $0x90000047  }
0x66: {  	s0 =	stileid.u32;
	[bflag:$0x2] =	sbarrier.arrive $0xFFFF  }
0x67: {  	p0 =	sne.s32 s0, $0x0;
	s0 =	rddreg [dreg:$0x2]  }
0x68: {  	s0 =	sadd.s32 @!p0 $0x100000, s0  }
0x69: {  	[sflag:s0] =	ssyncadd.tile.s32 @!p0 $0x1;
	_ =	shalt  }
.Lfunc_end2:
_tile_overlayer_lowered:
.L_overlay_start_2:
0x6a: {  	(tag) =	ssettag $0x2  }
0x6b: {  	s0 =	rddreg [dreg:$0x0];
	s2 =	stileid.u32  }
0x6c: {  	s1 =	rddreg [dreg:$0x1];
	p0 =	sne.s32 s2, $0x0  }
0x6d: {  	s3 =	rddreg [dreg:$0x2];
	[bflag:$0x3] =	sbarrier.arrive $0xFFFF;
	s2 =	simm.s32 @!p0 $0x1C0B  }
0x6e: {  	[timem:s3], [sflag:s2] =	dma.local @!p0 [hbm:s0], s1  }
0x6f: {  	s0 =	simm.s32 @!p0 $0xB  }
0x70: {  	_ =	swait.ge @!p0 [sflag:s0], s1  }
0x71: {  	s1 =	ssub.s32 @!p0 $0x0, s1;
	[sflag:s0] =	ssyncset.done @!p0 $0x0  }
0x72: {  	[sflag:s0] =	ssyncadd.s32 @!p0 s1  }
0x73: {  	[bflag:$0x3] =	sbarrier.arrive $0xFFFF  }
0x74: {  	_ =	shalt  }

</sc_bundles>
